<compile_context>
chip_gen: v7x
topology: tpu7x:2x2x1
jax: 0.10.2.dev20260603
libtpu: 0.0.44.dev20260713+nightly
codegen_flags: <defaults>
</compile_context>

<pallas_src>
import functools

import jax
import jax.numpy as jnp
from jax import lax
from jax.experimental import pallas as pl
from jax.experimental.pallas import tpu as pltpu
from jax.experimental.pallas import tpu_sc as plsc

_N = 128
_DX = 0.05
_WEIGHT = 10.0
_INV = 1.0 / _DX
_NB = 4
_CH_ROWS = _N * _N * _N // 16
_LOFF = (-1, 1, -_N * _N, _N * _N, -_N, _N)
_CAP = 3072
_DCH = 16
_NDMA = _CAP // _DCH


def _make_sc_call(n_pts, nw, p_per_w):
    chunks = p_per_w // 16
    mesh = plsc.VectorSubcoreMesh(core_axis_name="c", subcore_axis_name="s")

    @functools.partial(
        pl.kernel,
        out_type=jax.ShapeDtypeStruct((nw, 16), jnp.float32),
        mesh=mesh,
        compiler_params=pltpu.CompilerParams(needs_layout_passes=False,
                                             use_tc_tiling_on_sc=False),
        scratch_types=[
            pltpu.VMEM((p_per_w,), jnp.int32),
            pltpu.VMEM((p_per_w,), jnp.int32),
            pltpu.VMEM((p_per_w,), jnp.int32),
            pltpu.VMEM((p_per_w,), jnp.float32),
            pltpu.VMEM((p_per_w,), jnp.float32),
            pltpu.VMEM((p_per_w,), jnp.float32),
            pltpu.VMEM((16 + p_per_w,), jnp.int32),
            pltpu.VMEM((6 * p_per_w,), jnp.int32),
            pltpu.VMEM((_CAP + 16,), jnp.int32),
            pltpu.VMEM((_CAP,), jnp.int32),
            pltpu.VMEM((_CAP, 16), jnp.float32),
            pltpu.VMEM((_CAP, 16), jnp.float32),
            pltpu.VMEM((16,), jnp.float32),
            pltpu.SemaphoreType.DMA,
            pltpu.SemaphoreType.DMA,
        ],
    )
    def sc_call(a_hbm, b_hbm, pts_hbm, nrm_hbm, out_hbm, xv, yv, zv,
                nxv, nyv, nzv, linv, posv, lidv, cidv, gin, gout, accv,
                sem_a, sem_b):
        wid = lax.axis_index("s") * 2 + lax.axis_index("c")
        base = wid * p_per_w
        kpad = nw * p_per_w

        for r, dst in enumerate((xv, yv, zv)):
            pltpu.sync_copy(pts_hbm.at[pl.ds(r * kpad + base, p_per_w)], dst)
        for r, dst in enumerate((nxv, nyv, nzv)):
            pltpu.sync_copy(nrm_hbm.at[pl.ds(r * kpad + base, p_per_w)], dst)

        zeros16 = jnp.zeros((16,), jnp.int32)

        def memset(j, carry):
            lidv[pl.ds(j * 16, 16)] = zeros16
            return carry

        lax.fori_loop(0, (_CAP + 16) // 16, memset, 0)

        linv[pl.ds(0, 16)] = jnp.full((16,), -(1 << 20), jnp.int32)
        first_lane = lax.iota(jnp.int32, 16) == 0

        def build(i, wptr):
            s = i * 16
            lin = (xv[pl.ds(s, 16)] * (_N * _N)
                   + yv[pl.ds(s, 16)] * _N
                   + zv[pl.ds(s, 16)])
            linv[pl.ds(16 + s, 16)] = lin
            prev = linv[pl.ds(15 + s, 16)]
            for si, off in enumerate(_LOFF):
                line = (lin + off) >> 4
                pline = (prev + off) >> 4
                isnew = (line != pline) | first_lane
                newi = isnew.astype(jnp.int32)
                pos = wptr + jnp.cumsum(newi) - 1
                posv[pl.ds(si * p_per_w + s, 16)] = pos
                plsc.store_compressed(lidv.at[pl.ds(wptr, 16)], line,
                                      mask=isnew)
                wptr = wptr + jnp.sum(newi)
            return wptr

        wptr = lax.fori_loop(0, chunks, build, jnp.int32(0))

        lane = lax.iota(jnp.int32, 16)
        acc = jnp.zeros((16,), jnp.float32)

        ndma = (wptr + (_DCH - 1)) // _DCH

        def round_body(c, acc_in):
            coff = c * _CH_ROWS

            def fire(j, carry):
                s = j * _DCH
                cidv[pl.ds(s, _DCH)] = lidv[pl.ds(s, _DCH)] + coff
                pltpu.async_copy(
                    a_hbm.at[cidv.at[pl.ds(s, _DCH)]],
                    gin.at[pl.ds(s, _DCH)], sem_a)
                pltpu.async_copy(
                    b_hbm.at[cidv.at[pl.ds(s, _DCH)]],
                    gout.at[pl.ds(s, _DCH)], sem_b)
                return carry

            def drain(j, carry):
                pltpu.make_async_copy(
                    a_hbm.at[pl.ds(0, _DCH)],
                    gin.at[pl.ds(j * _DCH, _DCH)], sem_a).wait()
                pltpu.make_async_copy(
                    b_hbm.at[pl.ds(0, _DCH)],
                    gout.at[pl.ds(j * _DCH, _DCH)], sem_b).wait()
                return carry

            lax.fori_loop(0, ndma, fire, 0)
            lax.fori_loop(0, ndma, drain, 0)

            def extract(i, acc_c):
                s = i * 16
                lin = linv[pl.ds(16 + s, 16)]
                w0 = lin & 15
                wm = (lin - 1) & 15
                wp = (lin + 1) & 15
                pz0 = posv[pl.ds(0 * p_per_w + s, 16)]
                pz1 = posv[pl.ds(1 * p_per_w + s, 16)]
                px0 = posv[pl.ds(2 * p_per_w + s, 16)]
                px1 = posv[pl.ds(3 * p_per_w + s, 16)]
                py0 = posv[pl.ds(4 * p_per_w + s, 16)]
                py1 = posv[pl.ds(5 * p_per_w + s, 16)]
                pc = jnp.where(w0 != 0, pz0, pz1)
                ci = plsc.load_gather(gin, [pc, w0])
                ki = plsc.load_gather(gin, [pz0, wm])
                fi = plsc.load_gather(gin, [pz1, wp])
                li = plsc.load_gather(gin, [px0, w0])
                ri = plsc.load_gather(gin, [px1, w0])
                bi = plsc.load_gather(gin, [py0, w0])
                ai = plsc.load_gather(gin, [py1, w0])
                co = plsc.load_gather(gout, [pc, w0])
                ko = plsc.load_gather(gout, [pz0, wm])
                fo = plsc.load_gather(gout, [pz1, wp])
                lo = plsc.load_gather(gout, [px0, w0])
                ro = plsc.load_gather(gout, [px1, w0])
                bo = plsc.load_gather(gout, [py0, w0])
                ao = plsc.load_gather(gout, [py1, w0])
                nx = nxv[pl.ds(s, 16)]
                ny = nyv[pl.ds(s, 16)]
                nz = nzv[pl.ds(s, 16)]
                px = nx > 0
                py = ny > 0
                pz = nz > 0
                nzneg = nz < 0
                d0 = ci - co
                gxi = jnp.where(px, ci - li, ri - ci)
                gxo = jnp.where(px, ro - co, co - lo)
                gyi = jnp.where(py, ci - bi, ai - ci)
                gyo = jnp.where(py, ao - co, co - bo)
                gzi = jnp.where(pz, fi - ci, ci - ki)
                gzo = jnp.where(nzneg, fo - co, co - ko)
                ndi = gxi * nx + gyi * ny + gzi * nz
                ndo = gxo * nx + gyo * ny + gzo * nz
                dn = (ndi - ndo) * _INV
                total = d0 * d0 + dn * dn
                g = base + s + lane
                return acc_c + jnp.where(g < n_pts, total, 0.0)

            return lax.fori_loop(0, chunks, extract, acc_in)

        acc = lax.fori_loop(0, _NB, round_body, acc)

        accv[...] = acc
        pltpu.sync_copy(accv, out_hbm.at[wid])

    return sc_call


def kernel(subdomain_in, subdomain_out, x_idx, y_idx, z_idx,
           normal_x, normal_y, normal_z):
    k = x_idx.shape[0]
    nw = 32
    p_per_w = -(-k // (nw * 16)) * 16
    kpad = nw * p_per_w
    pad = kpad - k

    a = subdomain_in.reshape(_NB * _CH_ROWS, 16)
    b = subdomain_out.reshape(_NB * _CH_ROWS, 16)
    pts = jnp.pad(jnp.stack([x_idx, y_idx, z_idx]), ((0, 0), (0, pad)),
                  constant_values=64).reshape(-1)
    nrm = jnp.pad(jnp.stack([normal_x, normal_y, normal_z]),
                  ((0, 0), (0, pad))).reshape(-1)

    partials = _make_sc_call(k, nw, p_per_w)(a, b, pts, nrm)
    return jnp.sum(partials) * (_WEIGHT / (_NB * k))

# --- scband reference (transcript-rebuilt; emitter-appended) ---
"""Pipeline reference for scband-interface-boundary-loss-12025908428935 (READ-ONLY COPY).

The authoritative reference and input builder live on the scoring server;
editing this copy changes nothing except your own understanding.
"""

import jax, jax.numpy as jnp
import numpy as np

N = 128
DX = 0.05
DY = 0.05
DZ = 0.05
CENTER = (3.2, 3.2, 3.2)
RADIUS = 2.0
WEIGHT = 10.0


def _geometry():
    xs = np.arange(N) * DX
    ys = np.arange(N) * DY
    zs = np.arange(N) * DZ
    X, Y, Z = np.meshgrid(xs, ys, zs, indexing='ij')
    dist = np.sqrt((X - CENTER[0]) ** 2 + (Y - CENTER[1]) ** 2 + (Z - CENTER[2]) ** 2)
    boundary = np.abs(dist - RADIUS) < DX * 0.5
    x_idx, y_idx, z_idx = np.nonzero(boundary)
    x_node = x_idx * DX
    y_node = y_idx * DY
    z_node = z_idx * DZ
    nx = x_node - CENTER[0]
    ny = y_node - CENTER[1]
    nz = z_node - CENTER[2]
    norm = np.sqrt(nx ** 2 + ny ** 2 + nz ** 2)
    nx = nx / norm
    ny = ny / norm
    nz = nz / norm
    return x_idx, y_idx, z_idx, nx, ny, nz


def setup_inputs(seed: int = 0):
    key = jax.random.key(seed)
    k1, k2 = jax.random.split(key)
    x_idx, y_idx, z_idx, nx, ny, nz = _geometry()
    return {
        'subdomain_in': jax.random.normal(k1, (4, 1, N, N, N), dtype=jnp.float32),
        'subdomain_out': jax.random.normal(k2, (4, 1, N, N, N), dtype=jnp.float32),
        'x_idx': jnp.asarray(x_idx, dtype=jnp.int32),
        'y_idx': jnp.asarray(y_idx, dtype=jnp.int32),
        'z_idx': jnp.asarray(z_idx, dtype=jnp.int32),
        'normal_x': jnp.asarray(nx, dtype=jnp.float32),
        'normal_y': jnp.asarray(ny, dtype=jnp.float32),
        'normal_z': jnp.asarray(nz, dtype=jnp.float32),
    }


def reference(subdomain_in, subdomain_out, x_idx, y_idx, z_idx, normal_x, normal_y, normal_z):
    data_norm = 1.0
    a = (subdomain_in / data_norm)[:, 0]
    b = (subdomain_out / data_norm)[:, 0]
    c_in = a[:, x_idx, y_idx, z_idx]
    c_out = b[:, x_idx, y_idx, z_idx]
    loss = jnp.mean((c_in - c_out) ** 2)
    left_in = a[:, x_idx - 1, y_idx, z_idx]
    right_in = a[:, x_idx + 1, y_idx, z_idx]
    left_out = b[:, x_idx - 1, y_idx, z_idx]
    right_out = b[:, x_idx + 1, y_idx, z_idx]
    gx_in = jnp.where(normal_x > 0, (c_in - left_in) / DX, (right_in - c_in) / DX)
    gx_out = jnp.where(normal_x > 0, (-c_out + right_out) / DX, (c_out - left_out) / DX)
    below_in = a[:, x_idx, y_idx - 1, z_idx]
    above_in = a[:, x_idx, y_idx + 1, z_idx]
    below_out = b[:, x_idx, y_idx - 1, z_idx]
    above_out = b[:, x_idx, y_idx + 1, z_idx]
    gy_in = jnp.where(normal_y > 0, (c_in - below_in) / DY, (above_in - c_in) / DY)
    gy_out = jnp.where(normal_y > 0, (-c_out + above_out) / DY, (c_out - below_out) / DY)
    back_in = a[:, x_idx, y_idx, z_idx - 1]
    front_in = a[:, x_idx, y_idx, z_idx + 1]
    back_out = b[:, x_idx, y_idx, z_idx - 1]
    front_out = b[:, x_idx, y_idx, z_idx + 1]
    gz_in = jnp.where(normal_z > 0, (-c_in + front_in) / DZ, (c_in - back_in) / DZ)
    gz_out = jnp.where(normal_z < 0, (-c_out + front_out) / DZ, (c_out - back_out) / DZ)
    nd_in = gx_in * normal_x + gy_in * normal_y + gz_in * normal_z
    nd_out = gx_out * normal_x + gy_out * normal_y + gz_out * normal_z
    loss = loss + jnp.mean((nd_in - nd_out) ** 2)
    return loss * WEIGHT

if __name__ == "__main__":
    import jax
    _d = setup_inputs()
    print(jax.jit(kernel)(*tuple(_d.values())))

</pallas_src>

<mosaic_0001>
#map = affine_map<(d0, d1) -> (0, 0)>
#map1 = affine_map<(d0, d1) -> (0)>
module attributes {stable_mosaic.version = 14 : i64} {
  func.func @sc_call(%arg0: i32, %arg1: i32, %arg2: memref<524288x16xf32, #tpu.memory_space<hbm>>, %arg3: memref<524288x16xf32, #tpu.memory_space<hbm>>, %arg4: memref<61440xi32, #tpu.memory_space<hbm>>, %arg5: memref<61440xf32, #tpu.memory_space<hbm>>, %arg6: memref<32x16xf32, #tpu.memory_space<hbm>>, %arg7: memref<640xi32, #tpu.memory_space<vmem>>, %arg8: memref<640xi32, #tpu.memory_space<vmem>>, %arg9: memref<640xi32, #tpu.memory_space<vmem>>, %arg10: memref<640xf32, #tpu.memory_space<vmem>>, %arg11: memref<640xf32, #tpu.memory_space<vmem>>, %arg12: memref<640xf32, #tpu.memory_space<vmem>>, %arg13: memref<656xi32, #tpu.memory_space<vmem>>, %arg14: memref<3840xi32, #tpu.memory_space<vmem>>, %arg15: memref<3088xi32, #tpu.memory_space<vmem>>, %arg16: memref<3072xi32, #tpu.memory_space<vmem>>, %arg17: memref<3072x16xf32, #tpu.memory_space<vmem>>, %arg18: memref<3072x16xf32, #tpu.memory_space<vmem>>, %arg19: memref<16xf32, #tpu.memory_space<vmem>>, %arg20: memref<!tpu.dma_semaphore, #tpu.memory_space<semaphore_mem>>, %arg21: memref<!tpu.dma_semaphore, #tpu.memory_space<semaphore_mem>>) attributes {dimension_semantics = [#tpu.dimension_semantics<core_parallel>, #tpu.dimension_semantics<subcore_parallel>], iteration_bounds = array<i64: 2, 16>, scalar_prefetch = 0 : i64, scratch_operands = 15 : i64, tpu.core_type = #tpu.core_type<sc_vector_subcore>, window_params = [{transform_indices = #map}, {transform_indices = #map}, {transform_indices = #map1}, {transform_indices = #map1}, {transform_indices = #map}]} {
    %mul3A = arith.constant 2 : i32
    %mul3A_0 = arith.muli %arg1, %mul3A : i32
    %add3A = arith.addi %mul3A_0, %arg0 : i32
    %mul3A_1 = arith.constant 640 : i32
    %mul3A_2 = arith.muli %add3A, %mul3A_1 : i32
    %add3A_3 = arith.constant 0 : i32
    %add3A_4 = arith.addi %add3A_3, %mul3A_2 : i32
    "tpu.region"() ({
      %run_scoped3A = tpu.sem_alloc : memref<!tpu.dma_semaphore, #tpu.memory_space<semaphore_mem>>
      %dma_start3A = tpu.memref_slice %arg4[%add3A_4] : memref<61440xi32, #tpu.memory_space<hbm>> -> memref<640xi32, #tpu.memory_space<hbm>>
      %dma_start3A_62 = tpu.memref_slice %arg4[%add3A_4] : memref<61440xi32, #tpu.memory_space<hbm>> -> memref<640xi32, #tpu.memory_space<hbm>>
      tpu.enqueue_dma source(%dma_start3A_62 : memref<640xi32, #tpu.memory_space<hbm>>) target(%arg7 : memref<640xi32, #tpu.memory_space<vmem>>) target_semaphore(%run_scoped3A : memref<!tpu.dma_semaphore, #tpu.memory_space<semaphore_mem>>)
      %dma_wait3A = tpu.memref_slice %arg4[%add3A_4] : memref<61440xi32, #tpu.memory_space<hbm>> -> memref<640xi32, #tpu.memory_space<hbm>>
      %dma_wait3A_63 = tpu.memref_slice %arg4[%add3A_4] : memref<61440xi32, #tpu.memory_space<hbm>> -> memref<640xi32, #tpu.memory_space<hbm>>
      tpu.wait_dma2 semaphore(%run_scoped3A : memref<!tpu.dma_semaphore, #tpu.memory_space<semaphore_mem>>) src(%dma_wait3A_63 : memref<640xi32, #tpu.memory_space<hbm>>) dst(%arg7 : memref<640xi32, #tpu.memory_space<vmem>>)
      tpu.yield
    }) : () -> ()
    %add3A_5 = arith.constant 20480 : i32
    %add3A_6 = arith.addi %add3A_5, %mul3A_2 : i32
    "tpu.region"() ({
      %run_scoped3A = tpu.sem_alloc : memref<!tpu.dma_semaphore, #tpu.memory_space<semaphore_mem>>
      %dma_start3A = tpu.memref_slice %arg4[%add3A_6] : memref<61440xi32, #tpu.memory_space<hbm>> -> memref<640xi32, #tpu.memory_space<hbm>>
      %dma_start3A_62 = tpu.memref_slice %arg4[%add3A_6] : memref<61440xi32, #tpu.memory_space<hbm>> -> memref<640xi32, #tpu.memory_space<hbm>>
      tpu.enqueue_dma source(%dma_start3A_62 : memref<640xi32, #tpu.memory_space<hbm>>) target(%arg8 : memref<640xi32, #tpu.memory_space<vmem>>) target_semaphore(%run_scoped3A : memref<!tpu.dma_semaphore, #tpu.memory_space<semaphore_mem>>)
      %dma_wait3A = tpu.memref_slice %arg4[%add3A_6] : memref<61440xi32, #tpu.memory_space<hbm>> -> memref<640xi32, #tpu.memory_space<hbm>>
      %dma_wait3A_63 = tpu.memref_slice %arg4[%add3A_6] : memref<61440xi32, #tpu.memory_space<hbm>> -> memref<640xi32, #tpu.memory_space<hbm>>
      tpu.wait_dma2 semaphore(%run_scoped3A : memref<!tpu.dma_semaphore, #tpu.memory_space<semaphore_mem>>) src(%dma_wait3A_63 : memref<640xi32, #tpu.memory_space<hbm>>) dst(%arg8 : memref<640xi32, #tpu.memory_space<vmem>>)
      tpu.yield
    }) : () -> ()
    %add3A_7 = arith.constant 40960 : i32
    %add3A_8 = arith.addi %add3A_7, %mul3A_2 : i32
    "tpu.region"() ({
      %run_scoped3A = tpu.sem_alloc : memref<!tpu.dma_semaphore, #tpu.memory_space<semaphore_mem>>
      %dma_start3A = tpu.memref_slice %arg4[%add3A_8] : memref<61440xi32, #tpu.memory_space<hbm>> -> memref<640xi32, #tpu.memory_space<hbm>>
      %dma_start3A_62 = tpu.memref_slice %arg4[%add3A_8] : memref<61440xi32, #tpu.memory_space<hbm>> -> memref<640xi32, #tpu.memory_space<hbm>>
      tpu.enqueue_dma source(%dma_start3A_62 : memref<640xi32, #tpu.memory_space<hbm>>) target(%arg9 : memref<640xi32, #tpu.memory_space<vmem>>) target_semaphore(%run_scoped3A : memref<!tpu.dma_semaphore, #tpu.memory_space<semaphore_mem>>)
      %dma_wait3A = tpu.memref_slice %arg4[%add3A_8] : memref<61440xi32, #tpu.memory_space<hbm>> -> memref<640xi32, #tpu.memory_space<hbm>>
      %dma_wait3A_63 = tpu.memref_slice %arg4[%add3A_8] : memref<61440xi32, #tpu.memory_space<hbm>> -> memref<640xi32, #tpu.memory_space<hbm>>
      tpu.wait_dma2 semaphore(%run_scoped3A : memref<!tpu.dma_semaphore, #tpu.memory_space<semaphore_mem>>) src(%dma_wait3A_63 : memref<640xi32, #tpu.memory_space<hbm>>) dst(%arg9 : memref<640xi32, #tpu.memory_space<vmem>>)
      tpu.yield
    }) : () -> ()
    %add3A_9 = arith.constant 0 : i32
    %add3A_10 = arith.addi %add3A_9, %mul3A_2 : i32
    "tpu.region"() ({
      %run_scoped3A = tpu.sem_alloc : memref<!tpu.dma_semaphore, #tpu.memory_space<semaphore_mem>>
      %dma_start3A = tpu.memref_slice %arg5[%add3A_10] : memref<61440xf32, #tpu.memory_space<hbm>> -> memref<640xf32, #tpu.memory_space<hbm>>
      %dma_start3A_62 = tpu.memref_slice %arg5[%add3A_10] : memref<61440xf32, #tpu.memory_space<hbm>> -> memref<640xf32, #tpu.memory_space<hbm>>
      tpu.enqueue_dma source(%dma_start3A_62 : memref<640xf32, #tpu.memory_space<hbm>>) target(%arg10 : memref<640xf32, #tpu.memory_space<vmem>>) target_semaphore(%run_scoped3A : memref<!tpu.dma_semaphore, #tpu.memory_space<semaphore_mem>>)
      %dma_wait3A = tpu.memref_slice %arg5[%add3A_10] : memref<61440xf32, #tpu.memory_space<hbm>> -> memref<640xf32, #tpu.memory_space<hbm>>
      %dma_wait3A_63 = tpu.memref_slice %arg5[%add3A_10] : memref<61440xf32, #tpu.memory_space<hbm>> -> memref<640xf32, #tpu.memory_space<hbm>>
      tpu.wait_dma2 semaphore(%run_scoped3A : memref<!tpu.dma_semaphore, #tpu.memory_space<semaphore_mem>>) src(%dma_wait3A_63 : memref<640xf32, #tpu.memory_space<hbm>>) dst(%arg10 : memref<640xf32, #tpu.memory_space<vmem>>)
      tpu.yield
    }) : () -> ()
    %add3A_11 = arith.constant 20480 : i32
    %add3A_12 = arith.addi %add3A_11, %mul3A_2 : i32
    "tpu.region"() ({
      %run_scoped3A = tpu.sem_alloc : memref<!tpu.dma_semaphore, #tpu.memory_space<semaphore_mem>>
      %dma_start3A = tpu.memref_slice %arg5[%add3A_12] : memref<61440xf32, #tpu.memory_space<hbm>> -> memref<640xf32, #tpu.memory_space<hbm>>
      %dma_start3A_62 = tpu.memref_slice %arg5[%add3A_12] : memref<61440xf32, #tpu.memory_space<hbm>> -> memref<640xf32, #tpu.memory_space<hbm>>
      tpu.enqueue_dma source(%dma_start3A_62 : memref<640xf32, #tpu.memory_space<hbm>>) target(%arg11 : memref<640xf32, #tpu.memory_space<vmem>>) target_semaphore(%run_scoped3A : memref<!tpu.dma_semaphore, #tpu.memory_space<semaphore_mem>>)
      %dma_wait3A = tpu.memref_slice %arg5[%add3A_12] : memref<61440xf32, #tpu.memory_space<hbm>> -> memref<640xf32, #tpu.memory_space<hbm>>
      %dma_wait3A_63 = tpu.memref_slice %arg5[%add3A_12] : memref<61440xf32, #tpu.memory_space<hbm>> -> memref<640xf32, #tpu.memory_space<hbm>>
      tpu.wait_dma2 semaphore(%run_scoped3A : memref<!tpu.dma_semaphore, #tpu.memory_space<semaphore_mem>>) src(%dma_wait3A_63 : memref<640xf32, #tpu.memory_space<hbm>>) dst(%arg11 : memref<640xf32, #tpu.memory_space<vmem>>)
      tpu.yield
    }) : () -> ()
    %add3A_13 = arith.constant 40960 : i32
    %add3A_14 = arith.addi %add3A_13, %mul3A_2 : i32
    "tpu.region"() ({
      %run_scoped3A = tpu.sem_alloc : memref<!tpu.dma_semaphore, #tpu.memory_space<semaphore_mem>>
      %dma_start3A = tpu.memref_slice %arg5[%add3A_14] : memref<61440xf32, #tpu.memory_space<hbm>> -> memref<640xf32, #tpu.memory_space<hbm>>
      %dma_start3A_62 = tpu.memref_slice %arg5[%add3A_14] : memref<61440xf32, #tpu.memory_space<hbm>> -> memref<640xf32, #tpu.memory_space<hbm>>
      tpu.enqueue_dma source(%dma_start3A_62 : memref<640xf32, #tpu.memory_space<hbm>>) target(%arg12 : memref<640xf32, #tpu.memory_space<vmem>>) target_semaphore(%run_scoped3A : memref<!tpu.dma_semaphore, #tpu.memory_space<semaphore_mem>>)
      %dma_wait3A = tpu.memref_slice %arg5[%add3A_14] : memref<61440xf32, #tpu.memory_space<hbm>> -> memref<640xf32, #tpu.memory_space<hbm>>
      %dma_wait3A_63 = tpu.memref_slice %arg5[%add3A_14] : memref<61440xf32, #tpu.memory_space<hbm>> -> memref<640xf32, #tpu.memory_space<hbm>>
      tpu.wait_dma2 semaphore(%run_scoped3A : memref<!tpu.dma_semaphore, #tpu.memory_space<semaphore_mem>>) src(%dma_wait3A_63 : memref<640xf32, #tpu.memory_space<hbm>>) dst(%arg12 : memref<640xf32, #tpu.memory_space<vmem>>)
      tpu.yield
    }) : () -> ()
    %broadcast_in_dim3A = arith.constant 0 : i32
    %broadcast_in_dim3A_15 = vector.broadcast %broadcast_in_dim3A : i32 to vector<16xi32>
    %scan3A = arith.constant 0 : i32
    %scan3A_16 = arith.constant 0 : i32
    %scan3A_17 = arith.constant 193 : i32
    %scan3A_18 = arith.addi %scan3A_16, %scan3A_17 : i32
    %scan3A_19 = arith.constant 1 : i32
    scf.for %scan3A_62 = %scan3A_16 to %scan3A_18 step %scan3A_19  : i32 {
      %mul3A_63 = arith.constant 16 : i32
      %mul3A_64 = arith.muli %scan3A_62, %mul3A_63 : i32
      %swap3A_65 = arith.index_cast %mul3A_64 : i32 to index
      %swap3A_66 = tpu.vector_load %arg15[%swap3A_65] {strides = array<i32>} : memref<3088xi32, #tpu.memory_space<vmem>>, vector<16xi32>,
      tpu.vector_store %arg15[%swap3A_65], %broadcast_in_dim3A_15 {strides = array<i32>} : memref<3088xi32, #tpu.memory_space<vmem>>, vector<16xi32>,
    }
    %scan3A_20 = arith.constant 193 : i32
    %broadcast_in_dim3A_21 = arith.constant -1048576 : i32
    %broadcast_in_dim3A_22 = vector.broadcast %broadcast_in_dim3A_21 : i32 to vector<16xi32>
    %swap3A = arith.constant 0 : index
    %swap3A_23 = tpu.vector_load %arg13[%swap3A] {strides = array<i32>} : memref<656xi32, #tpu.memory_space<vmem>>, vector<16xi32>,
    tpu.vector_store %arg13[%swap3A], %broadcast_in_dim3A_22 {strides = array<i32>} : memref<656xi32, #tpu.memory_space<vmem>>, vector<16xi32>,
    %iota3A = tpu.iota {dimensions = array<i32: 0>} : vector<16xi32>
    %eq3A = arith.constant 0 : i32
    %eq3A_24 = vector.broadcast %eq3A : i32 to vector<16xi32>
    %eq3A_25 = arith.cmpi eq, %iota3A, %eq3A_24 : vector<16xi32>
    %scan3A_26 = arith.constant 0 : i32
    %scan3A_27 = arith.constant 0 : i32
    %scan3A_28 = arith.constant 40 : i32
    %scan3A_29 = arith.addi %scan3A_27, %scan3A_28 : i32
    %scan3A_30 = arith.constant 1 : i32
    %scan3A_31 = scf.for %scan3A_62 = %scan3A_27 to %scan3A_29 step %scan3A_30 iter_args(%scan3A_63 = %scan3A_26) -> (i32)  : i32 {
      %mul3A_64 = arith.constant 16 : i32
      %mul3A_65 = arith.muli %scan3A_62, %mul3A_64 : i32
      %get3A = arith.index_cast %mul3A_65 : i32 to index
      %get3A_66 = tpu.vector_load %arg7[%get3A] {strides = array<i32>} : memref<640xi32, #tpu.memory_space<vmem>>, vector<16xi32>,
      %mul3A_67 = arith.constant 16384 : i32
      %mul3A_68 = vector.broadcast %mul3A_67 : i32 to vector<16xi32>
      %mul3A_69 = arith.muli %get3A_66, %mul3A_68 : vector<16xi32>
      %get3A_70 = arith.index_cast %mul3A_65 : i32 to index
      %get3A_71 = tpu.vector_load %arg8[%get3A_70] {strides = array<i32>} : memref<640xi32, #tpu.memory_space<vmem>>, vector<16xi32>,
      %mul3A_72 = arith.constant 128 : i32
      %mul3A_73 = vector.broadcast %mul3A_72 : i32 to vector<16xi32>
      %mul3A_74 = arith.muli %get3A_71, %mul3A_73 : vector<16xi32>
      %add3A_75 = arith.addi %mul3A_69, %mul3A_74 : vector<16xi32>
      %get3A_76 = arith.index_cast %mul3A_65 : i32 to index
      %get3A_77 = tpu.vector_load %arg9[%get3A_76] {strides = array<i32>} : memref<640xi32, #tpu.memory_space<vmem>>, vector<16xi32>,
      %add3A_78 = arith.addi %add3A_75, %get3A_77 : vector<16xi32>
      %add3A_79 = arith.constant 16 : i32
      %add3A_80 = arith.addi %add3A_79, %mul3A_65 : i32
      %swap3A_81 = arith.index_cast %add3A_80 : i32 to index
      %swap3A_82 = tpu.vector_load %arg13[%swap3A_81] {strides = array<i32>} : memref<656xi32, #tpu.memory_space<vmem>>, vector<16xi32>,
      tpu.vector_store %arg13[%swap3A_81], %add3A_78 {strides = array<i32>} : memref<656xi32, #tpu.memory_space<vmem>>, vector<16xi32>,
      %add3A_83 = arith.constant 15 : i32
      %add3A_84 = arith.addi %add3A_83, %mul3A_65 : i32
      %get3A_85 = arith.index_cast %add3A_84 : i32 to index
      %get3A_86 = tpu.vector_load %arg13[%get3A_85] {strides = array<i32>} : memref<656xi32, #tpu.memory_space<vmem>>, vector<16xi32>,
      %add3A_87 = arith.constant -1 : i32
      %add3A_88 = vector.broadcast %add3A_87 : i32 to vector<16xi32>
      %add3A_89 = arith.addi %add3A_78, %add3A_88 : vector<16xi32>
      %shift_right_arithmetic3A = arith.constant 4 : i32
      %shift_right_arithmetic3A_90 = vector.broadcast %shift_right_arithmetic3A : i32 to vector<16xi32>
      %shift_right_arithmetic3A_91 = arith.shrsi %add3A_89, %shift_right_arithmetic3A_90 : vector<16xi32>
      %add3A_92 = arith.constant -1 : i32
      %add3A_93 = vector.broadcast %add3A_92 : i32 to vector<16xi32>
      %add3A_94 = arith.addi %get3A_86, %add3A_93 : vector<16xi32>
      %shift_right_arithmetic3A_95 = arith.constant 4 : i32
      %shift_right_arithmetic3A_96 = vector.broadcast %shift_right_arithmetic3A_95 : i32 to vector<16xi32>
      %shift_right_arithmetic3A_97 = arith.shrsi %add3A_94, %shift_right_arithmetic3A_96 : vector<16xi32>
      %ne3A_98 = arith.cmpi ne, %shift_right_arithmetic3A_91, %shift_right_arithmetic3A_97 : vector<16xi32>
      %or3A = arith.ori %ne3A_98, %eq3A_25 : vector<16xi1>
      %convert_element_type3A = arith.extui %or3A : vector<16xi1> to vector<16xi32>
      %cumsum3A = arith.constant true
      %cumsum3A_99 = vector.broadcast %cumsum3A : i1 to vector<16xi1>
      %cumsum3A_100 = tpu.scan <sum>, %convert_element_type3A masked %cumsum3A_99 : vector<16xi32>, vector<16xi1> -> vector<16xi32>
      %add3A_101 = vector.broadcast %scan3A_63 : i32 to vector<16xi32>
      %add3A_102 = arith.addi %add3A_101, %cumsum3A_100 : vector<16xi32>
      %sub3A_103 = arith.constant 1 : i32
      %sub3A_104 = vector.broadcast %sub3A_103 : i32 to vector<16xi32>
      %sub3A_105 = arith.subi %add3A_102, %sub3A_104 : vector<16xi32>
      %add3A_106 = arith.constant 0 : i32
      %add3A_107 = arith.addi %add3A_106, %mul3A_65 : i32
      %swap3A_108 = arith.index_cast %add3A_107 : i32 to index
      %swap3A_109 = tpu.vector_load %arg14[%swap3A_108] {strides = array<i32>} : memref<3840xi32, #tpu.memory_space<vmem>>, vector<16xi32>,
      tpu.vector_store %arg14[%swap3A_108], %sub3A_105 {strides = array<i32>} : memref<3840xi32, #tpu.memory_space<vmem>>, vector<16xi32>,
      %swap3A_110 = arith.index_cast %scan3A_63 : i32 to index
      %swap3A_111 = tpu.vector_load %arg15[%swap3A_110] masked %or3A {strides = array<i32>} : memref<3088xi32, #tpu.memory_space<vmem>>, vector<16xi32>, vector<16xi1>
      tpu.vector_store %arg15[%swap3A_110], %shift_right_arithmetic3A_91 masked %or3A {strides = array<i32>} : memref<3088xi32, #tpu.memory_space<vmem>>, vector<16xi32>, vector<16xi1>
      %reduce_sum3A = arith.constant true
      %reduce_sum3A_112 = vector.broadcast %reduce_sum3A : i1 to vector<16xi1>
      %reduce_sum3A_113 = tpu.scan <sum>, %convert_element_type3A masked %reduce_sum3A_112 : vector<16xi32>, vector<16xi1> -> vector<16xi32>
      %reduce_sum3A_114 = vector.extract %reduce_sum3A_113[15] : i32 from vector<16xi32>
      %add3A_115 = arith.addi %scan3A_63, %reduce_sum3A_114 : i32
      %add3A_116 = arith.constant 1 : i32
      %add3A_117 = vector.broadcast %add3A_116 : i32 to vector<16xi32>
      %add3A_118 = arith.addi %add3A_78, %add3A_117 : vector<16xi32>
      %shift_right_arithmetic3A_119 = arith.constant 4 : i32
      %shift_right_arithmetic3A_120 = vector.broadcast %shift_right_arithmetic3A_119 : i32 to vector<16xi32>
      %shift_right_arithmetic3A_121 = arith.shrsi %add3A_118, %shift_right_arithmetic3A_120 : vector<16xi32>
      %add3A_122 = arith.constant 1 : i32
      %add3A_123 = vector.broadcast %add3A_122 : i32 to vector<16xi32>
      %add3A_124 = arith.addi %get3A_86, %add3A_123 : vector<16xi32>
      %shift_right_arithmetic3A_125 = arith.constant 4 : i32
      %shift_right_arithmetic3A_126 = vector.broadcast %shift_right_arithmetic3A_125 : i32 to vector<16xi32>
      %shift_right_arithmetic3A_127 = arith.shrsi %add3A_124, %shift_right_arithmetic3A_126 : vector<16xi32>
      %ne3A_128 = arith.cmpi ne, %shift_right_arithmetic3A_121, %shift_right_arithmetic3A_127 : vector<16xi32>
      %or3A_129 = arith.ori %ne3A_128, %eq3A_25 : vector<16xi1>
      %convert_element_type3A_130 = arith.extui %or3A_129 : vector<16xi1> to vector<16xi32>
      %cumsum3A_131 = arith.constant true
      %cumsum3A_132 = vector.broadcast %cumsum3A_131 : i1 to vector<16xi1>
      %cumsum3A_133 = tpu.scan <sum>, %convert_element_type3A_130 masked %cumsum3A_132 : vector<16xi32>, vector<16xi1> -> vector<16xi32>
      %add3A_134 = vector.broadcast %add3A_115 : i32 to vector<16xi32>
      %add3A_135 = arith.addi %add3A_134, %cumsum3A_133 : vector<16xi32>
      %sub3A_136 = arith.constant 1 : i32
      %sub3A_137 = vector.broadcast %sub3A_136 : i32 to vector<16xi32>
      %sub3A_138 = arith.subi %add3A_135, %sub3A_137 : vector<16xi32>
      %add3A_139 = arith.constant 640 : i32
      %add3A_140 = arith.addi %add3A_139, %mul3A_65 : i32
      %swap3A_141 = arith.index_cast %add3A_140 : i32 to index
      %swap3A_142 = tpu.vector_load %arg14[%swap3A_141] {strides = array<i32>} : memref<3840xi32, #tpu.memory_space<vmem>>, vector<16xi32>,
      tpu.vector_store %arg14[%swap3A_141], %sub3A_138 {strides = array<i32>} : memref<3840xi32, #tpu.memory_space<vmem>>, vector<16xi32>,
      %swap3A_143 = arith.index_cast %add3A_115 : i32 to index
      %swap3A_144 = tpu.vector_load %arg15[%swap3A_143] masked %or3A_129 {strides = array<i32>} : memref<3088xi32, #tpu.memory_space<vmem>>, vector<16xi32>, vector<16xi1>
      tpu.vector_store %arg15[%swap3A_143], %shift_right_arithmetic3A_121 masked %or3A_129 {strides = array<i32>} : memref<3088xi32, #tpu.memory_space<vmem>>, vector<16xi32>, vector<16xi1>
      %reduce_sum3A_145 = arith.constant true
      %reduce_sum3A_146 = vector.broadcast %reduce_sum3A_145 : i1 to vector<16xi1>
      %reduce_sum3A_147 = tpu.scan <sum>, %convert_element_type3A_130 masked %reduce_sum3A_146 : vector<16xi32>, vector<16xi1> -> vector<16xi32>
      %reduce_sum3A_148 = vector.extract %reduce_sum3A_147[15] : i32 from vector<16xi32>
      %add3A_149 = arith.addi %add3A_115, %reduce_sum3A_148 : i32
      %add3A_150 = arith.constant -16384 : i32
      %add3A_151 = vector.broadcast %add3A_150 : i32 to vector<16xi32>
      %add3A_152 = arith.addi %add3A_78, %add3A_151 : vector<16xi32>
      %shift_right_arithmetic3A_153 = arith.constant 4 : i32
      %shift_right_arithmetic3A_154 = vector.broadcast %shift_right_arithmetic3A_153 : i32 to vector<16xi32>
      %shift_right_arithmetic3A_155 = arith.shrsi %add3A_152, %shift_right_arithmetic3A_154 : vector<16xi32>
      %add3A_156 = arith.constant -16384 : i32
      %add3A_157 = vector.broadcast %add3A_156 : i32 to vector<16xi32>
      %add3A_158 = arith.addi %get3A_86, %add3A_157 : vector<16xi32>
      %shift_right_arithmetic3A_159 = arith.constant 4 : i32
      %shift_right_arithmetic3A_160 = vector.broadcast %shift_right_arithmetic3A_159 : i32 to vector<16xi32>
      %shift_right_arithmetic3A_161 = arith.shrsi %add3A_158, %shift_right_arithmetic3A_160 : vector<16xi32>
      %ne3A_162 = arith.cmpi ne, %shift_right_arithmetic3A_155, %shift_right_arithmetic3A_161 : vector<16xi32>
      %or3A_163 = arith.ori %ne3A_162, %eq3A_25 : vector<16xi1>
      %convert_element_type3A_164 = arith.extui %or3A_163 : vector<16xi1> to vector<16xi32>
      %cumsum3A_165 = arith.constant true
      %cumsum3A_166 = vector.broadcast %cumsum3A_165 : i1 to vector<16xi1>
      %cumsum3A_167 = tpu.scan <sum>, %convert_element_type3A_164 masked %cumsum3A_166 : vector<16xi32>, vector<16xi1> -> vector<16xi32>
      %add3A_168 = vector.broadcast %add3A_149 : i32 to vector<16xi32>
      %add3A_169 = arith.addi %add3A_168, %cumsum3A_167 : vector<16xi32>
      %sub3A_170 = arith.constant 1 : i32
      %sub3A_171 = vector.broadcast %sub3A_170 : i32 to vector<16xi32>
      %sub3A_172 = arith.subi %add3A_169, %sub3A_171 : vector<16xi32>
      %add3A_173 = arith.constant 1280 : i32
      %add3A_174 = arith.addi %add3A_173, %mul3A_65 : i32
      %swap3A_175 = arith.index_cast %add3A_174 : i32 to index
      %swap3A_176 = tpu.vector_load %arg14[%swap3A_175] {strides = array<i32>} : memref<3840xi32, #tpu.memory_space<vmem>>, vector<16xi32>,
      tpu.vector_store %arg14[%swap3A_175], %sub3A_172 {strides = array<i32>} : memref<3840xi32, #tpu.memory_space<vmem>>, vector<16xi32>,
      %swap3A_177 = arith.index_cast %add3A_149 : i32 to index
      %swap3A_178 = tpu.vector_load %arg15[%swap3A_177] masked %or3A_163 {strides = array<i32>} : memref<3088xi32, #tpu.memory_space<vmem>>, vector<16xi32>, vector<16xi1>
      tpu.vector_store %arg15[%swap3A_177], %shift_right_arithmetic3A_155 masked %or3A_163 {strides = array<i32>} : memref<3088xi32, #tpu.memory_space<vmem>>, vector<16xi32>, vector<16xi1>
      %reduce_sum3A_179 = arith.constant true
      %reduce_sum3A_180 = vector.broadcast %reduce_sum3A_179 : i1 to vector<16xi1>
      %reduce_sum3A_181 = tpu.scan <sum>, %convert_element_type3A_164 masked %reduce_sum3A_180 : vector<16xi32>, vector<16xi1> -> vector<16xi32>
      %reduce_sum3A_182 = vector.extract %reduce_sum3A_181[15] : i32 from vector<16xi32>
      %add3A_183 = arith.addi %add3A_149, %reduce_sum3A_182 : i32
      %add3A_184 = arith.constant 16384 : i32
      %add3A_185 = vector.broadcast %add3A_184 : i32 to vector<16xi32>
      %add3A_186 = arith.addi %add3A_78, %add3A_185 : vector<16xi32>
      %shift_right_arithmetic3A_187 = arith.constant 4 : i32
      %shift_right_arithmetic3A_188 = vector.broadcast %shift_right_arithmetic3A_187 : i32 to vector<16xi32>
      %shift_right_arithmetic3A_189 = arith.shrsi %add3A_186, %shift_right_arithmetic3A_188 : vector<16xi32>
      %add3A_190 = arith.constant 16384 : i32
      %add3A_191 = vector.broadcast %add3A_190 : i32 to vector<16xi32>
      %add3A_192 = arith.addi %get3A_86, %add3A_191 : vector<16xi32>
      %shift_right_arithmetic3A_193 = arith.constant 4 : i32
      %shift_right_arithmetic3A_194 = vector.broadcast %shift_right_arithmetic3A_193 : i32 to vector<16xi32>
      %shift_right_arithmetic3A_195 = arith.shrsi %add3A_192, %shift_right_arithmetic3A_194 : vector<16xi32>
      %ne3A_196 = arith.cmpi ne, %shift_right_arithmetic3A_189, %shift_right_arithmetic3A_195 : vector<16xi32>
      %or3A_197 = arith.ori %ne3A_196, %eq3A_25 : vector<16xi1>
      %convert_element_type3A_198 = arith.extui %or3A_197 : vector<16xi1> to vector<16xi32>
      %cumsum3A_199 = arith.constant true
      %cumsum3A_200 = vector.broadcast %cumsum3A_199 : i1 to vector<16xi1>
      %cumsum3A_201 = tpu.scan <sum>, %convert_element_type3A_198 masked %cumsum3A_200 : vector<16xi32>, vector<16xi1> -> vector<16xi32>
      %add3A_202 = vector.broadcast %add3A_183 : i32 to vector<16xi32>
      %add3A_203 = arith.addi %add3A_202, %cumsum3A_201 : vector<16xi32>
      %sub3A_204 = arith.constant 1 : i32
      %sub3A_205 = vector.broadcast %sub3A_204 : i32 to vector<16xi32>
      %sub3A_206 = arith.subi %add3A_203, %sub3A_205 : vector<16xi32>
      %add3A_207 = arith.constant 1920 : i32
      %add3A_208 = arith.addi %add3A_207, %mul3A_65 : i32
      %swap3A_209 = arith.index_cast %add3A_208 : i32 to index
      %swap3A_210 = tpu.vector_load %arg14[%swap3A_209] {strides = array<i32>} : memref<3840xi32, #tpu.memory_space<vmem>>, vector<16xi32>,
      tpu.vector_store %arg14[%swap3A_209], %sub3A_206 {strides = array<i32>} : memref<3840xi32, #tpu.memory_space<vmem>>, vector<16xi32>,
      %swap3A_211 = arith.index_cast %add3A_183 : i32 to index
      %swap3A_212 = tpu.vector_load %arg15[%swap3A_211] masked %or3A_197 {strides = array<i32>} : memref<3088xi32, #tpu.memory_space<vmem>>, vector<16xi32>, vector<16xi1>
      tpu.vector_store %arg15[%swap3A_211], %shift_right_arithmetic3A_189 masked %or3A_197 {strides = array<i32>} : memref<3088xi32, #tpu.memory_space<vmem>>, vector<16xi32>, vector<16xi1>
      %reduce_sum3A_213 = arith.constant true
      %reduce_sum3A_214 = vector.broadcast %reduce_sum3A_213 : i1 to vector<16xi1>
      %reduce_sum3A_215 = tpu.scan <sum>, %convert_element_type3A_198 masked %reduce_sum3A_214 : vector<16xi32>, vector<16xi1> -> vector<16xi32>
      %reduce_sum3A_216 = vector.extract %reduce_sum3A_215[15] : i32 from vector<16xi32>
      %add3A_217 = arith.addi %add3A_183, %reduce_sum3A_216 : i32
      %add3A_218 = arith.constant -128 : i32
      %add3A_219 = vector.broadcast %add3A_218 : i32 to vector<16xi32>
      %add3A_220 = arith.addi %add3A_78, %add3A_219 : vector<16xi32>
      %shift_right_arithmetic3A_221 = arith.constant 4 : i32
      %shift_right_arithmetic3A_222 = vector.broadcast %shift_right_arithmetic3A_221 : i32 to vector<16xi32>
      %shift_right_arithmetic3A_223 = arith.shrsi %add3A_220, %shift_right_arithmetic3A_222 : vector<16xi32>
      %add3A_224 = arith.constant -128 : i32
      %add3A_225 = vector.broadcast %add3A_224 : i32 to vector<16xi32>
      %add3A_226 = arith.addi %get3A_86, %add3A_225 : vector<16xi32>
      %shift_right_arithmetic3A_227 = arith.constant 4 : i32
      %shift_right_arithmetic3A_228 = vector.broadcast %shift_right_arithmetic3A_227 : i32 to vector<16xi32>
      %shift_right_arithmetic3A_229 = arith.shrsi %add3A_226, %shift_right_arithmetic3A_228 : vector<16xi32>
      %ne3A_230 = arith.cmpi ne, %shift_right_arithmetic3A_223, %shift_right_arithmetic3A_229 : vector<16xi32>
      %or3A_231 = arith.ori %ne3A_230, %eq3A_25 : vector<16xi1>
      %convert_element_type3A_232 = arith.extui %or3A_231 : vector<16xi1> to vector<16xi32>
      %cumsum3A_233 = arith.constant true
      %cumsum3A_234 = vector.broadcast %cumsum3A_233 : i1 to vector<16xi1>
      %cumsum3A_235 = tpu.scan <sum>, %convert_element_type3A_232 masked %cumsum3A_234 : vector<16xi32>, vector<16xi1> -> vector<16xi32>
      %add3A_236 = vector.broadcast %add3A_217 : i32 to vector<16xi32>
      %add3A_237 = arith.addi %add3A_236, %cumsum3A_235 : vector<16xi32>
      %sub3A_238 = arith.constant 1 : i32
      %sub3A_239 = vector.broadcast %sub3A_238 : i32 to vector<16xi32>
      %sub3A_240 = arith.subi %add3A_237, %sub3A_239 : vector<16xi32>
      %add3A_241 = arith.constant 2560 : i32
      %add3A_242 = arith.addi %add3A_241, %mul3A_65 : i32
      %swap3A_243 = arith.index_cast %add3A_242 : i32 to index
      %swap3A_244 = tpu.vector_load %arg14[%swap3A_243] {strides = array<i32>} : memref<3840xi32, #tpu.memory_space<vmem>>, vector<16xi32>,
      tpu.vector_store %arg14[%swap3A_243], %sub3A_240 {strides = array<i32>} : memref<3840xi32, #tpu.memory_space<vmem>>, vector<16xi32>,
      %swap3A_245 = arith.index_cast %add3A_217 : i32 to index
      %swap3A_246 = tpu.vector_load %arg15[%swap3A_245] masked %or3A_231 {strides = array<i32>} : memref<3088xi32, #tpu.memory_space<vmem>>, vector<16xi32>, vector<16xi1>
      tpu.vector_store %arg15[%swap3A_245], %shift_right_arithmetic3A_223 masked %or3A_231 {strides = array<i32>} : memref<3088xi32, #tpu.memory_space<vmem>>, vector<16xi32>, vector<16xi1>
      %reduce_sum3A_247 = arith.constant true
      %reduce_sum3A_248 = vector.broadcast %reduce_sum3A_247 : i1 to vector<16xi1>
      %reduce_sum3A_249 = tpu.scan <sum>, %convert_element_type3A_232 masked %reduce_sum3A_248 : vector<16xi32>, vector<16xi1> -> vector<16xi32>
      %reduce_sum3A_250 = vector.extract %reduce_sum3A_249[15] : i32 from vector<16xi32>
      %add3A_251 = arith.addi %add3A_217, %reduce_sum3A_250 : i32
      %add3A_252 = arith.constant 128 : i32
      %add3A_253 = vector.broadcast %add3A_252 : i32 to vector<16xi32>
      %add3A_254 = arith.addi %add3A_78, %add3A_253 : vector<16xi32>
      %shift_right_arithmetic3A_255 = arith.constant 4 : i32
      %shift_right_arithmetic3A_256 = vector.broadcast %shift_right_arithmetic3A_255 : i32 to vector<16xi32>
      %shift_right_arithmetic3A_257 = arith.shrsi %add3A_254, %shift_right_arithmetic3A_256 : vector<16xi32>
      %add3A_258 = arith.constant 128 : i32
      %add3A_259 = vector.broadcast %add3A_258 : i32 to vector<16xi32>
      %add3A_260 = arith.addi %get3A_86, %add3A_259 : vector<16xi32>
      %shift_right_arithmetic3A_261 = arith.constant 4 : i32
      %shift_right_arithmetic3A_262 = vector.broadcast %shift_right_arithmetic3A_261 : i32 to vector<16xi32>
      %shift_right_arithmetic3A_263 = arith.shrsi %add3A_260, %shift_right_arithmetic3A_262 : vector<16xi32>
      %ne3A_264 = arith.cmpi ne, %shift_right_arithmetic3A_257, %shift_right_arithmetic3A_263 : vector<16xi32>
      %or3A_265 = arith.ori %ne3A_264, %eq3A_25 : vector<16xi1>
      %convert_element_type3A_266 = arith.extui %or3A_265 : vector<16xi1> to vector<16xi32>
      %cumsum3A_267 = arith.constant true
      %cumsum3A_268 = vector.broadcast %cumsum3A_267 : i1 to vector<16xi1>
      %cumsum3A_269 = tpu.scan <sum>, %convert_element_type3A_266 masked %cumsum3A_268 : vector<16xi32>, vector<16xi1> -> vector<16xi32>
      %add3A_270 = vector.broadcast %add3A_251 : i32 to vector<16xi32>
      %add3A_271 = arith.addi %add3A_270, %cumsum3A_269 : vector<16xi32>
      %sub3A_272 = arith.constant 1 : i32
      %sub3A_273 = vector.broadcast %sub3A_272 : i32 to vector<16xi32>
      %sub3A_274 = arith.subi %add3A_271, %sub3A_273 : vector<16xi32>
      %add3A_275 = arith.constant 3200 : i32
      %add3A_276 = arith.addi %add3A_275, %mul3A_65 : i32
      %swap3A_277 = arith.index_cast %add3A_276 : i32 to index
      %swap3A_278 = tpu.vector_load %arg14[%swap3A_277] {strides = array<i32>} : memref<3840xi32, #tpu.memory_space<vmem>>, vector<16xi32>,
      tpu.vector_store %arg14[%swap3A_277], %sub3A_274 {strides = array<i32>} : memref<3840xi32, #tpu.memory_space<vmem>>, vector<16xi32>,
      %swap3A_279 = arith.index_cast %add3A_251 : i32 to index
      %swap3A_280 = tpu.vector_load %arg15[%swap3A_279] masked %or3A_265 {strides = array<i32>} : memref<3088xi32, #tpu.memory_space<vmem>>, vector<16xi32>, vector<16xi1>
      tpu.vector_store %arg15[%swap3A_279], %shift_right_arithmetic3A_257 masked %or3A_265 {strides = array<i32>} : memref<3088xi32, #tpu.memory_space<vmem>>, vector<16xi32>, vector<16xi1>
      %reduce_sum3A_281 = arith.constant true
      %reduce_sum3A_282 = vector.broadcast %reduce_sum3A_281 : i1 to vector<16xi1>
      %reduce_sum3A_283 = tpu.scan <sum>, %convert_element_type3A_266 masked %reduce_sum3A_282 : vector<16xi32>, vector<16xi1> -> vector<16xi32>
      %reduce_sum3A_284 = vector.extract %reduce_sum3A_283[15] : i32 from vector<16xi32>
      %add3A_285 = arith.addi %add3A_251, %reduce_sum3A_284 : i32
      scf.yield %add3A_285 : i32
    }
    %scan3A_32 = arith.constant 40 : i32
    %iota3A_33 = tpu.iota {dimensions = array<i32: 0>} : vector<16xi32>
    %broadcast_in_dim3A_34 = arith.constant 0.000000e+00 : f32
    %broadcast_in_dim3A_35 = vector.broadcast %broadcast_in_dim3A_34 : f32 to vector<16xf32>
    %add3A_36 = arith.constant 15 : i32
    %add3A_37 = arith.addi %scan3A_31, %add3A_36 : i32
    %jit3A = arith.constant 16 : i32
    %div3A = arith.divsi %add3A_37, %jit3A : i32
    %sign3A = arith.constant 0 : i32
    %sign3A_38 = arith.cmpi sgt, %add3A_37, %sign3A : i32
    %sign3A_39 = arith.extui %sign3A_38 : i1 to i32
    %sign3A_40 = arith.constant 0 : i32
    %sign3A_41 = arith.cmpi slt, %add3A_37, %sign3A_40 : i32
    %sign3A_42 = arith.extui %sign3A_41 : i1 to i32
    %sign3A_43 = arith.subi %sign3A_39, %sign3A_42 : i32
    %sign3A_44 = arith.constant 0 : i32
    %sign3A_45 = arith.cmpi sgt, %jit3A, %sign3A_44 : i32
    %sign3A_46 = arith.extui %sign3A_45 : i1 to i32
    %sign3A_47 = arith.constant 0 : i32
    %sign3A_48 = arith.cmpi slt, %jit3A, %sign3A_47 : i32
    %sign3A_49 = arith.extui %sign3A_48 : i1 to i32
    %sign3A_50 = arith.subi %sign3A_46, %sign3A_49 : i32
    %ne3A = arith.cmpi ne, %sign3A_43, %sign3A_50 : i32
    %rem3A = arith.remsi %add3A_37, %jit3A : i32
    %ne3A_51 = arith.constant 0 : i32
    %ne3A_52 = arith.cmpi ne, %rem3A, %ne3A_51 : i32
    %and3A = arith.andi %ne3A, %ne3A_52 : i1
    %sub3A = arith.constant 1 : i32
    %sub3A_53 = arith.subi %div3A, %sub3A : i32
    %select_n3A = arith.select %and3A, %sub3A_53, %div3A : i32
    %scan3A_54 = arith.constant 0 : i32
    %scan3A_55 = arith.constant 4 : i32
    %scan3A_56 = arith.addi %scan3A_54, %scan3A_55 : i32
    %scan3A_57 = arith.constant 1 : i32
    %scan3A_58 = scf.for %scan3A_62 = %scan3A_54 to %scan3A_56 step %scan3A_57 iter_args(%scan3A_63 = %broadcast_in_dim3A_35) -> (vector<16xf32>)  : i32 {
      %mul3A_64 = arith.constant 131072 : i32
      %mul3A_65 = arith.muli %scan3A_62, %mul3A_64 : i32
      %while3A = arith.constant 0 : i32
      %while3A_66 = arith.constant 0 : i32
      %while3A_67 = arith.subi %select_n3A, %while3A_66 : i32
      %while3A_68 = arith.addi %while3A_66, %while3A_67 : i32
      %while3A_69 = arith.constant 1 : i32
      %while3A_70 = arith.divsi %while3A_67, %while3A_69 : i32
      %while3A_71 = arith.muli %while3A_70, %while3A_69 : i32
      %while3A_72 = arith.addi %while3A_66, %while3A_71 : i32
      %while3A_73 = arith.constant 1 : i32
      scf.for %while3A_91 = %while3A_66 to %while3A_72 step %while3A_73  : i32 {
        %mul3A_92 = arith.constant 16 : i32
        %mul3A_93 = arith.muli %while3A_91, %mul3A_92 : i32
        %get3A = arith.index_cast %mul3A_93 : i32 to index
        %get3A_94 = tpu.vector_load %arg15[%get3A] {strides = array<i32>} : memref<3088xi32, #tpu.memory_space<vmem>>, vector<16xi32>,
        %add3A_95 = vector.broadcast %mul3A_65 : i32 to vector<16xi32>
        %add3A_96 = arith.addi %get3A_94, %add3A_95 : vector<16xi32>
        %swap3A_97 = arith.index_cast %mul3A_93 : i32 to index
        %swap3A_98 = tpu.vector_load %arg16[%swap3A_97] {strides = array<i32>} : memref<3072xi32, #tpu.memory_space<vmem>>, vector<16xi32>,
        tpu.vector_store %arg16[%swap3A_97], %add3A_96 {strides = array<i32>} : memref<3072xi32, #tpu.memory_space<vmem>>, vector<16xi32>,
        %dma_start3A = arith.constant 0 : i32
        %dma_start3A_99 = tpu.memref_slice %arg17[%mul3A_93, %dma_start3A] : memref<3072x16xf32, #tpu.memory_space<vmem>> -> memref<16x16xf32, #tpu.memory_space<vmem>>
        %dma_start3A_100 = tpu.memref_slice %arg16[%mul3A_93] : memref<3072xi32, #tpu.memory_space<vmem>> -> memref<16xi32, #tpu.memory_space<vmem>>
        %dma_start3A_101 = arith.constant 0 : i32
        %dma_start3A_102 = arith.constant 0 : i32
        %dma_start3A_103 = tpu.memref_slice %arg2[%dma_start3A_101, %dma_start3A_102] : memref<524288x16xf32, #tpu.memory_space<hbm>> -> memref<524288x16xf32, #tpu.memory_space<hbm>>
        tpu.enqueue_indirect_dma source(%dma_start3A_103 : memref<524288x16xf32, #tpu.memory_space<hbm>>) target(%dma_start3A_99 : memref<16x16xf32, #tpu.memory_space<vmem>>) offsets(%dma_start3A_100 : memref<16xi32, #tpu.memory_space<vmem>>) semaphore(%arg20 : memref<!tpu.dma_semaphore, #tpu.memory_space<semaphore_mem>>)
        %dma_start3A_104 = arith.constant 0 : i32
        %dma_start3A_105 = tpu.memref_slice %arg18[%mul3A_93, %dma_start3A_104] : memref<3072x16xf32, #tpu.memory_space<vmem>> -> memref<16x16xf32, #tpu.memory_space<vmem>>
        %dma_start3A_106 = tpu.memref_slice %arg16[%mul3A_93] : memref<3072xi32, #tpu.memory_space<vmem>> -> memref<16xi32, #tpu.memory_space<vmem>>
        %dma_start3A_107 = arith.constant 0 : i32
        %dma_start3A_108 = arith.constant 0 : i32
        %dma_start3A_109 = tpu.memref_slice %arg3[%dma_start3A_107, %dma_start3A_108] : memref<524288x16xf32, #tpu.memory_space<hbm>> -> memref<524288x16xf32, #tpu.memory_space<hbm>>
        tpu.enqueue_indirect_dma source(%dma_start3A_109 : memref<524288x16xf32, #tpu.memory_space<hbm>>) target(%dma_start3A_105 : memref<16x16xf32, #tpu.memory_space<vmem>>) offsets(%dma_start3A_106 : memref<16xi32, #tpu.memory_space<vmem>>) semaphore(%arg21 : memref<!tpu.dma_semaphore, #tpu.memory_space<semaphore_mem>>)
      }
      %while3A_74 = arith.constant 1 : i32
      scf.for %while3A_91 = %while3A_72 to %while3A_68 step %while3A_74  : i32 {
        %mul3A_92 = arith.constant 16 : i32
        %mul3A_93 = arith.muli %while3A_91, %mul3A_92 : i32
        %get3A = arith.index_cast %mul3A_93 : i32 to index
        %get3A_94 = tpu.vector_load %arg15[%get3A] {strides = array<i32>} : memref<3088xi32, #tpu.memory_space<vmem>>, vector<16xi32>,
        %add3A_95 = vector.broadcast %mul3A_65 : i32 to vector<16xi32>
        %add3A_96 = arith.addi %get3A_94, %add3A_95 : vector<16xi32>
        %swap3A_97 = arith.index_cast %mul3A_93 : i32 to index
        %swap3A_98 = tpu.vector_load %arg16[%swap3A_97] {strides = array<i32>} : memref<3072xi32, #tpu.memory_space<vmem>>, vector<16xi32>,
        tpu.vector_store %arg16[%swap3A_97], %add3A_96 {strides = array<i32>} : memref<3072xi32, #tpu.memory_space<vmem>>, vector<16xi32>,
        %dma_start3A = arith.constant 0 : i32
        %dma_start3A_99 = tpu.memref_slice %arg17[%mul3A_93, %dma_start3A] : memref<3072x16xf32, #tpu.memory_space<vmem>> -> memref<16x16xf32, #tpu.memory_space<vmem>>
        %dma_start3A_100 = tpu.memref_slice %arg16[%mul3A_93] : memref<3072xi32, #tpu.memory_space<vmem>> -> memref<16xi32, #tpu.memory_space<vmem>>
        %dma_start3A_101 = arith.constant 0 : i32
        %dma_start3A_102 = arith.constant 0 : i32
        %dma_start3A_103 = tpu.memref_slice %arg2[%dma_start3A_101, %dma_start3A_102] : memref<524288x16xf32, #tpu.memory_space<hbm>> -> memref<524288x16xf32, #tpu.memory_space<hbm>>
        tpu.enqueue_indirect_dma source(%dma_start3A_103 : memref<524288x16xf32, #tpu.memory_space<hbm>>) target(%dma_start3A_99 : memref<16x16xf32, #tpu.memory_space<vmem>>) offsets(%dma_start3A_100 : memref<16xi32, #tpu.memory_space<vmem>>) semaphore(%arg20 : memref<!tpu.dma_semaphore, #tpu.memory_space<semaphore_mem>>)
        %dma_start3A_104 = arith.constant 0 : i32
        %dma_start3A_105 = tpu.memref_slice %arg18[%mul3A_93, %dma_start3A_104] : memref<3072x16xf32, #tpu.memory_space<vmem>> -> memref<16x16xf32, #tpu.memory_space<vmem>>
        %dma_start3A_106 = tpu.memref_slice %arg16[%mul3A_93] : memref<3072xi32, #tpu.memory_space<vmem>> -> memref<16xi32, #tpu.memory_space<vmem>>
        %dma_start3A_107 = arith.constant 0 : i32
        %dma_start3A_108 = arith.constant 0 : i32
        %dma_start3A_109 = tpu.memref_slice %arg3[%dma_start3A_107, %dma_start3A_108] : memref<524288x16xf32, #tpu.memory_space<hbm>> -> memref<524288x16xf32, #tpu.memory_space<hbm>>
        tpu.enqueue_indirect_dma source(%dma_start3A_109 : memref<524288x16xf32, #tpu.memory_space<hbm>>) target(%dma_start3A_105 : memref<16x16xf32, #tpu.memory_space<vmem>>) offsets(%dma_start3A_106 : memref<16xi32, #tpu.memory_space<vmem>>) semaphore(%arg21 : memref<!tpu.dma_semaphore, #tpu.memory_space<semaphore_mem>>)
      }
      %while3A_75 = arith.constant 0 : i32
      %while3A_76 = arith.constant 0 : i32
      %while3A_77 = arith.subi %select_n3A, %while3A_76 : i32
      %while3A_78 = arith.addi %while3A_76, %while3A_77 : i32
      %while3A_79 = arith.constant 1 : i32
      %while3A_80 = arith.divsi %while3A_77, %while3A_79 : i32
      %while3A_81 = arith.muli %while3A_80, %while3A_79 : i32
      %while3A_82 = arith.addi %while3A_76, %while3A_81 : i32
      %while3A_83 = arith.constant 1 : i32
      scf.for %while3A_91 = %while3A_76 to %while3A_82 step %while3A_83  : i32 {
        %mul3A_92 = arith.constant 16 : i32
        %mul3A_93 = arith.muli %while3A_91, %mul3A_92 : i32
        %dma_wait3A = arith.constant 0 : i32
        %dma_wait3A_94 = tpu.memref_slice %arg17[%mul3A_93, %dma_wait3A] : memref<3072x16xf32, #tpu.memory_space<vmem>> -> memref<16x16xf32, #tpu.memory_space<vmem>>
        %dma_wait3A_95 = arith.constant 0 : i32
        %dma_wait3A_96 = arith.constant 0 : i32
        %dma_wait3A_97 = tpu.memref_slice %arg2[%dma_wait3A_95, %dma_wait3A_96] : memref<524288x16xf32, #tpu.memory_space<hbm>> -> memref<16x16xf32, #tpu.memory_space<hbm>>
        %dma_wait3A_98 = arith.constant 0 : i32
        %dma_wait3A_99 = tpu.memref_slice %arg17[%mul3A_93, %dma_wait3A_98] : memref<3072x16xf32, #tpu.memory_space<vmem>> -> memref<16x16xf32, #tpu.memory_space<vmem>>
        %dma_wait3A_100 = arith.constant 0 : i32
        %dma_wait3A_101 = arith.constant 0 : i32
        %dma_wait3A_102 = tpu.memref_slice %arg2[%dma_wait3A_100, %dma_wait3A_101] : memref<524288x16xf32, #tpu.memory_space<hbm>> -> memref<16x16xf32, #tpu.memory_space<hbm>>
        tpu.wait_dma2 semaphore(%arg20 : memref<!tpu.dma_semaphore, #tpu.memory_space<semaphore_mem>>) src(%dma_wait3A_102 : memref<16x16xf32, #tpu.memory_space<hbm>>) dst(%dma_wait3A_99 : memref<16x16xf32, #tpu.memory_space<vmem>>)
        %mul3A_103 = arith.constant 16 : i32
        %mul3A_104 = arith.muli %while3A_91, %mul3A_103 : i32
        %dma_wait3A_105 = arith.constant 0 : i32
        %dma_wait3A_106 = tpu.memref_slice %arg18[%mul3A_104, %dma_wait3A_105] : memref<3072x16xf32, #tpu.memory_space<vmem>> -> memref<16x16xf32, #tpu.memory_space<vmem>>
        %dma_wait3A_107 = arith.constant 0 : i32
        %dma_wait3A_108 = arith.constant 0 : i32
        %dma_wait3A_109 = tpu.memref_slice %arg3[%dma_wait3A_107, %dma_wait3A_108] : memref<524288x16xf32, #tpu.memory_space<hbm>> -> memref<16x16xf32, #tpu.memory_space<hbm>>
        %dma_wait3A_110 = arith.constant 0 : i32
        %dma_wait3A_111 = tpu.memref_slice %arg18[%mul3A_104, %dma_wait3A_110] : memref<3072x16xf32, #tpu.memory_space<vmem>> -> memref<16x16xf32, #tpu.memory_space<vmem>>
        %dma_wait3A_112 = arith.constant 0 : i32
        %dma_wait3A_113 = arith.constant 0 : i32
        %dma_wait3A_114 = tpu.memref_slice %arg3[%dma_wait3A_112, %dma_wait3A_113] : memref<524288x16xf32, #tpu.memory_space<hbm>> -> memref<16x16xf32, #tpu.memory_space<hbm>>
        tpu.wait_dma2 semaphore(%arg21 : memref<!tpu.dma_semaphore, #tpu.memory_space<semaphore_mem>>) src(%dma_wait3A_114 : memref<16x16xf32, #tpu.memory_space<hbm>>) dst(%dma_wait3A_111 : memref<16x16xf32, #tpu.memory_space<vmem>>)
      }
      %while3A_84 = arith.constant 1 : i32
      scf.for %while3A_91 = %while3A_82 to %while3A_78 step %while3A_84  : i32 {
        %mul3A_92 = arith.constant 16 : i32
        %mul3A_93 = arith.muli %while3A_91, %mul3A_92 : i32
        %dma_wait3A = arith.constant 0 : i32
        %dma_wait3A_94 = tpu.memref_slice %arg17[%mul3A_93, %dma_wait3A] : memref<3072x16xf32, #tpu.memory_space<vmem>> -> memref<16x16xf32, #tpu.memory_space<vmem>>
        %dma_wait3A_95 = arith.constant 0 : i32
        %dma_wait3A_96 = arith.constant 0 : i32
        %dma_wait3A_97 = tpu.memref_slice %arg2[%dma_wait3A_95, %dma_wait3A_96] : memref<524288x16xf32, #tpu.memory_space<hbm>> -> memref<16x16xf32, #tpu.memory_space<hbm>>
        %dma_wait3A_98 = arith.constant 0 : i32
        %dma_wait3A_99 = tpu.memref_slice %arg17[%mul3A_93, %dma_wait3A_98] : memref<3072x16xf32, #tpu.memory_space<vmem>> -> memref<16x16xf32, #tpu.memory_space<vmem>>
        %dma_wait3A_100 = arith.constant 0 : i32
        %dma_wait3A_101 = arith.constant 0 : i32
        %dma_wait3A_102 = tpu.memref_slice %arg2[%dma_wait3A_100, %dma_wait3A_101] : memref<524288x16xf32, #tpu.memory_space<hbm>> -> memref<16x16xf32, #tpu.memory_space<hbm>>
        tpu.wait_dma2 semaphore(%arg20 : memref<!tpu.dma_semaphore, #tpu.memory_space<semaphore_mem>>) src(%dma_wait3A_102 : memref<16x16xf32, #tpu.memory_space<hbm>>) dst(%dma_wait3A_99 : memref<16x16xf32, #tpu.memory_space<vmem>>)
        %mul3A_103 = arith.constant 16 : i32
        %mul3A_104 = arith.muli %while3A_91, %mul3A_103 : i32
        %dma_wait3A_105 = arith.constant 0 : i32
        %dma_wait3A_106 = tpu.memref_slice %arg18[%mul3A_104, %dma_wait3A_105] : memref<3072x16xf32, #tpu.memory_space<vmem>> -> memref<16x16xf32, #tpu.memory_space<vmem>>
        %dma_wait3A_107 = arith.constant 0 : i32
        %dma_wait3A_108 = arith.constant 0 : i32
        %dma_wait3A_109 = tpu.memref_slice %arg3[%dma_wait3A_107, %dma_wait3A_108] : memref<524288x16xf32, #tpu.memory_space<hbm>> -> memref<16x16xf32, #tpu.memory_space<hbm>>
        %dma_wait3A_110 = arith.constant 0 : i32
        %dma_wait3A_111 = tpu.memref_slice %arg18[%mul3A_104, %dma_wait3A_110] : memref<3072x16xf32, #tpu.memory_space<vmem>> -> memref<16x16xf32, #tpu.memory_space<vmem>>
        %dma_wait3A_112 = arith.constant 0 : i32
        %dma_wait3A_113 = arith.constant 0 : i32
        %dma_wait3A_114 = tpu.memref_slice %arg3[%dma_wait3A_112, %dma_wait3A_113] : memref<524288x16xf32, #tpu.memory_space<hbm>> -> memref<16x16xf32, #tpu.memory_space<hbm>>
        tpu.wait_dma2 semaphore(%arg21 : memref<!tpu.dma_semaphore, #tpu.memory_space<semaphore_mem>>) src(%dma_wait3A_114 : memref<16x16xf32, #tpu.memory_space<hbm>>) dst(%dma_wait3A_111 : memref<16x16xf32, #tpu.memory_space<vmem>>)
      }
      %scan3A_85 = arith.constant 0 : i32
      %scan3A_86 = arith.constant 40 : i32
      %scan3A_87 = arith.addi %scan3A_85, %scan3A_86 : i32
      %scan3A_88 = arith.constant 1 : i32
      %scan3A_89 = scf.for %scan3A_91 = %scan3A_85 to %scan3A_87 step %scan3A_88 iter_args(%scan3A_92 = %scan3A_63) -> (vector<16xf32>)  : i32 {
        %mul3A_93 = arith.constant 16 : i32
        %mul3A_94 = arith.muli %scan3A_91, %mul3A_93 : i32
        %add3A_95 = arith.constant 16 : i32
        %add3A_96 = arith.addi %add3A_95, %mul3A_94 : i32
        %get3A = arith.index_cast %add3A_96 : i32 to index
        %get3A_97 = tpu.vector_load %arg13[%get3A] {strides = array<i32>} : memref<656xi32, #tpu.memory_space<vmem>>, vector<16xi32>,
        %and3A_98 = arith.constant 15 : i32
        %and3A_99 = vector.broadcast %and3A_98 : i32 to vector<16xi32>
        %and3A_100 = arith.andi %get3A_97, %and3A_99 : vector<16xi32>
        %sub3A_101 = arith.constant 1 : i32
        %sub3A_102 = vector.broadcast %sub3A_101 : i32 to vector<16xi32>
        %sub3A_103 = arith.subi %get3A_97, %sub3A_102 : vector<16xi32>
        %and3A_104 = arith.constant 15 : i32
        %and3A_105 = vector.broadcast %and3A_104 : i32 to vector<16xi32>
        %and3A_106 = arith.andi %sub3A_103, %and3A_105 : vector<16xi32>
        %add3A_107 = arith.constant 1 : i32
        %add3A_108 = vector.broadcast %add3A_107 : i32 to vector<16xi32>
        %add3A_109 = arith.addi %get3A_97, %add3A_108 : vector<16xi32>
        %and3A_110 = arith.constant 15 : i32
        %and3A_111 = vector.broadcast %and3A_110 : i32 to vector<16xi32>
        %and3A_112 = arith.andi %add3A_109, %and3A_111 : vector<16xi32>
        %add3A_113 = arith.constant 0 : i32
        %add3A_114 = arith.addi %add3A_113, %mul3A_94 : i32
        %get3A_115 = arith.index_cast %add3A_114 : i32 to index
        %get3A_116 = tpu.vector_load %arg14[%get3A_115] {strides = array<i32>} : memref<3840xi32, #tpu.memory_space<vmem>>, vector<16xi32>,
        %add3A_117 = arith.constant 640 : i32
        %add3A_118 = arith.addi %add3A_117, %mul3A_94 : i32
        %get3A_119 = arith.index_cast %add3A_118 : i32 to index
        %get3A_120 = tpu.vector_load %arg14[%get3A_119] {strides = array<i32>} : memref<3840xi32, #tpu.memory_space<vmem>>, vector<16xi32>,
        %add3A_121 = arith.constant 1280 : i32
        %add3A_122 = arith.addi %add3A_121, %mul3A_94 : i32
        %get3A_123 = arith.index_cast %add3A_122 : i32 to index
        %get3A_124 = tpu.vector_load %arg14[%get3A_123] {strides = array<i32>} : memref<3840xi32, #tpu.memory_space<vmem>>, vector<16xi32>,
        %add3A_125 = arith.constant 1920 : i32
        %add3A_126 = arith.addi %add3A_125, %mul3A_94 : i32
        %get3A_127 = arith.index_cast %add3A_126 : i32 to index
        %get3A_128 = tpu.vector_load %arg14[%get3A_127] {strides = array<i32>} : memref<3840xi32, #tpu.memory_space<vmem>>, vector<16xi32>,
        %add3A_129 = arith.constant 2560 : i32
        %add3A_130 = arith.addi %add3A_129, %mul3A_94 : i32
        %get3A_131 = arith.index_cast %add3A_130 : i32 to index
        %get3A_132 = tpu.vector_load %arg14[%get3A_131] {strides = array<i32>} : memref<3840xi32, #tpu.memory_space<vmem>>, vector<16xi32>,
        %add3A_133 = arith.constant 3200 : i32
        %add3A_134 = arith.addi %add3A_133, %mul3A_94 : i32
        %get3A_135 = arith.index_cast %add3A_134 : i32 to index
        %get3A_136 = tpu.vector_load %arg14[%get3A_135] {strides = array<i32>} : memref<3840xi32, #tpu.memory_space<vmem>>, vector<16xi32>,
        %ne3A_137 = arith.constant 0 : i32
        %ne3A_138 = vector.broadcast %ne3A_137 : i32 to vector<16xi32>
        %ne3A_139 = arith.cmpi ne, %and3A_100, %ne3A_138 : vector<16xi32>
        %select_n3A_140 = arith.select %ne3A_139, %get3A_116, %get3A_120 : vector<16xi1>, vector<16xi32>
        %gather3A = tpu.vector_load_idx %arg17[%select_n3A_140, %and3A_100] : memref<3072x16xf32, #tpu.memory_space<vmem>>[vector<16xi32>, vector<16xi32>], vector<16xf32>,
        %gather3A_141 = tpu.vector_load_idx %arg17[%get3A_116, %and3A_106] : memref<3072x16xf32, #tpu.memory_space<vmem>>[vector<16xi32>, vector<16xi32>], vector<16xf32>,
        %gather3A_142 = tpu.vector_load_idx %arg17[%get3A_120, %and3A_112] : memref<3072x16xf32, #tpu.memory_space<vmem>>[vector<16xi32>, vector<16xi32>], vector<16xf32>,
        %gather3A_143 = tpu.vector_load_idx %arg17[%get3A_124, %and3A_100] : memref<3072x16xf32, #tpu.memory_space<vmem>>[vector<16xi32>, vector<16xi32>], vector<16xf32>,
        %gather3A_144 = tpu.vector_load_idx %arg17[%get3A_128, %and3A_100] : memref<3072x16xf32, #tpu.memory_space<vmem>>[vector<16xi32>, vector<16xi32>], vector<16xf32>,
        %gather3A_145 = tpu.vector_load_idx %arg17[%get3A_132, %and3A_100] : memref<3072x16xf32, #tpu.memory_space<vmem>>[vector<16xi32>, vector<16xi32>], vector<16xf32>,
        %gather3A_146 = tpu.vector_load_idx %arg17[%get3A_136, %and3A_100] : memref<3072x16xf32, #tpu.memory_space<vmem>>[vector<16xi32>, vector<16xi32>], vector<16xf32>,
        %gather3A_147 = tpu.vector_load_idx %arg18[%select_n3A_140, %and3A_100] : memref<3072x16xf32, #tpu.memory_space<vmem>>[vector<16xi32>, vector<16xi32>], vector<16xf32>,
        %gather3A_148 = tpu.vector_load_idx %arg18[%get3A_116, %and3A_106] : memref<3072x16xf32, #tpu.memory_space<vmem>>[vector<16xi32>, vector<16xi32>], vector<16xf32>,
        %gather3A_149 = tpu.vector_load_idx %arg18[%get3A_120, %and3A_112] : memref<3072x16xf32, #tpu.memory_space<vmem>>[vector<16xi32>, vector<16xi32>], vector<16xf32>,
        %gather3A_150 = tpu.vector_load_idx %arg18[%get3A_124, %and3A_100] : memref<3072x16xf32, #tpu.memory_space<vmem>>[vector<16xi32>, vector<16xi32>], vector<16xf32>,
        %gather3A_151 = tpu.vector_load_idx %arg18[%get3A_128, %and3A_100] : memref<3072x16xf32, #tpu.memory_space<vmem>>[vector<16xi32>, vector<16xi32>], vector<16xf32>,
        %gather3A_152 = tpu.vector_load_idx %arg18[%get3A_132, %and3A_100] : memref<3072x16xf32, #tpu.memory_space<vmem>>[vector<16xi32>, vector<16xi32>], vector<16xf32>,
        %gather3A_153 = tpu.vector_load_idx %arg18[%get3A_136, %and3A_100] : memref<3072x16xf32, #tpu.memory_space<vmem>>[vector<16xi32>, vector<16xi32>], vector<16xf32>,
        %get3A_154 = arith.index_cast %mul3A_94 : i32 to index
        %get3A_155 = tpu.vector_load %arg10[%get3A_154] {strides = array<i32>} : memref<640xf32, #tpu.memory_space<vmem>>, vector<16xf32>,
        %get3A_156 = arith.index_cast %mul3A_94 : i32 to index
        %get3A_157 = tpu.vector_load %arg11[%get3A_156] {strides = array<i32>} : memref<640xf32, #tpu.memory_space<vmem>>, vector<16xf32>,
        %get3A_158 = arith.index_cast %mul3A_94 : i32 to index
        %get3A_159 = tpu.vector_load %arg12[%get3A_158] {strides = array<i32>} : memref<640xf32, #tpu.memory_space<vmem>>, vector<16xf32>,
        %gt3A = arith.constant 0.000000e+00 : f32
        %gt3A_160 = vector.broadcast %gt3A : f32 to vector<16xf32>
        %gt3A_161 = arith.cmpf ogt, %get3A_155, %gt3A_160 : vector<16xf32>
        %gt3A_162 = arith.constant 0.000000e+00 : f32
        %gt3A_163 = vector.broadcast %gt3A_162 : f32 to vector<16xf32>
        %gt3A_164 = arith.cmpf ogt, %get3A_157, %gt3A_163 : vector<16xf32>
        %gt3A_165 = arith.constant 0.000000e+00 : f32
        %gt3A_166 = vector.broadcast %gt3A_165 : f32 to vector<16xf32>
        %gt3A_167 = arith.cmpf ogt, %get3A_159, %gt3A_166 : vector<16xf32>
        %lt3A = arith.constant 0.000000e+00 : f32
        %lt3A_168 = vector.broadcast %lt3A : f32 to vector<16xf32>
        %lt3A_169 = arith.cmpf olt, %get3A_159, %lt3A_168 : vector<16xf32>
        %sub3A_170 = arith.subf %gather3A, %gather3A_147 : vector<16xf32>
        %sub3A_171 = arith.subf %gather3A, %gather3A_143 : vector<16xf32>
        %sub3A_172 = arith.subf %gather3A_144, %gather3A : vector<16xf32>
        %select_n3A_173 = arith.select %gt3A_161, %sub3A_171, %sub3A_172 : vector<16xi1>, vector<16xf32>
        %sub3A_174 = arith.subf %gather3A_151, %gather3A_147 : vector<16xf32>
        %sub3A_175 = arith.subf %gather3A_147, %gather3A_150 : vector<16xf32>
        %select_n3A_176 = arith.select %gt3A_161, %sub3A_174, %sub3A_175 : vector<16xi1>, vector<16xf32>
        %sub3A_177 = arith.subf %gather3A, %gather3A_145 : vector<16xf32>
        %sub3A_178 = arith.subf %gather3A_146, %gather3A : vector<16xf32>
        %select_n3A_179 = arith.select %gt3A_164, %sub3A_177, %sub3A_178 : vector<16xi1>, vector<16xf32>
        %sub3A_180 = arith.subf %gather3A_153, %gather3A_147 : vector<16xf32>
        %sub3A_181 = arith.subf %gather3A_147, %gather3A_152 : vector<16xf32>
        %select_n3A_182 = arith.select %gt3A_164, %sub3A_180, %sub3A_181 : vector<16xi1>, vector<16xf32>
        %sub3A_183 = arith.subf %gather3A_142, %gather3A : vector<16xf32>
        %sub3A_184 = arith.subf %gather3A, %gather3A_141 : vector<16xf32>
        %select_n3A_185 = arith.select %gt3A_167, %sub3A_183, %sub3A_184 : vector<16xi1>, vector<16xf32>
        %sub3A_186 = arith.subf %gather3A_149, %gather3A_147 : vector<16xf32>
        %sub3A_187 = arith.subf %gather3A_147, %gather3A_148 : vector<16xf32>
        %select_n3A_188 = arith.select %lt3A_169, %sub3A_186, %sub3A_187 : vector<16xi1>, vector<16xf32>
        %mul3A_189 = arith.mulf %select_n3A_173, %get3A_155 : vector<16xf32>
        %mul3A_190 = arith.mulf %select_n3A_179, %get3A_157 : vector<16xf32>
        %add3A_191 = arith.addf %mul3A_189, %mul3A_190 : vector<16xf32>
        %mul3A_192 = arith.mulf %select_n3A_185, %get3A_159 : vector<16xf32>
        %add3A_193 = arith.addf %add3A_191, %mul3A_192 : vector<16xf32>
        %mul3A_194 = arith.mulf %select_n3A_176, %get3A_155 : vector<16xf32>
        %mul3A_195 = arith.mulf %select_n3A_182, %get3A_157 : vector<16xf32>
        %add3A_196 = arith.addf %mul3A_194, %mul3A_195 : vector<16xf32>
        %mul3A_197 = arith.mulf %select_n3A_188, %get3A_159 : vector<16xf32>
        %add3A_198 = arith.addf %add3A_196, %mul3A_197 : vector<16xf32>
        %sub3A_199 = arith.subf %add3A_193, %add3A_198 : vector<16xf32>
        %mul3A_200 = arith.constant 2.000000e+01 : f32
        %mul3A_201 = vector.broadcast %mul3A_200 : f32 to vector<16xf32>
        %mul3A_202 = arith.mulf %sub3A_199, %mul3A_201 : vector<16xf32>
        %mul3A_203 = arith.mulf %sub3A_170, %sub3A_170 : vector<16xf32>
        %mul3A_204 = arith.mulf %mul3A_202, %mul3A_202 : vector<16xf32>
        %add3A_205 = arith.addf %mul3A_203, %mul3A_204 : vector<16xf32>
        %add3A_206 = arith.addi %mul3A_2, %mul3A_94 : i32
        %add3A_207 = vector.broadcast %add3A_206 : i32 to vector<16xi32>
        %add3A_208 = arith.addi %add3A_207, %iota3A_33 : vector<16xi32>
        %lt3A_209 = arith.constant 20234 : i32
        %lt3A_210 = vector.broadcast %lt3A_209 : i32 to vector<16xi32>
        %lt3A_211 = arith.cmpi slt, %add3A_208, %lt3A_210 : vector<16xi32>
        %jit3A_212 = arith.constant 0.000000e+00 : f32
        %broadcast_in_dim3A_213 = vector.broadcast %jit3A_212 : f32 to vector<16xf32>
        %select_n3A_214 = arith.select %lt3A_211, %add3A_205, %broadcast_in_dim3A_213 : vector<16xi1>, vector<16xf32>
        %add3A_215 = arith.addf %scan3A_92, %select_n3A_214 : vector<16xf32>
        scf.yield %add3A_215 : vector<16xf32>
      }
      %scan3A_90 = arith.constant 40 : i32
      scf.yield %scan3A_89 : vector<16xf32>
    }
    %scan3A_59 = arith.constant 4 : i32
    %swap3A_60 = arith.constant 0 : index
    %swap3A_61 = tpu.vector_load %arg19[%swap3A_60] {strides = array<i32>} : memref<16xf32, #tpu.memory_space<vmem>>, vector<16xf32>,
    tpu.vector_store %arg19[%swap3A_60], %scan3A_58 {strides = array<i32>} : memref<16xf32, #tpu.memory_space<vmem>>, vector<16xf32>,
    "tpu.region"() ({
      %run_scoped3A = tpu.sem_alloc : memref<!tpu.dma_semaphore, #tpu.memory_space<semaphore_mem>>
      %dma_start3A = arith.constant 0 : i32
      %dma_start3A_62 = tpu.memref_slice %arg6[%add3A, %dma_start3A] : memref<32x16xf32, #tpu.memory_space<hbm>> -> memref<1x16xf32, #tpu.memory_space<hbm>>
      %dma_start3A_63 = tpu.memref_squeeze %dma_start3A_62 : memref<1x16xf32, #tpu.memory_space<hbm>> -> memref<16xf32, #tpu.memory_space<hbm>>
      %dma_start3A_64 = arith.constant 0 : i32
      %dma_start3A_65 = tpu.memref_slice %arg6[%add3A, %dma_start3A_64] : memref<32x16xf32, #tpu.memory_space<hbm>> -> memref<1x16xf32, #tpu.memory_space<hbm>>
      %dma_start3A_66 = tpu.memref_squeeze %dma_start3A_65 : memref<1x16xf32, #tpu.memory_space<hbm>> -> memref<16xf32, #tpu.memory_space<hbm>>
      tpu.enqueue_dma source(%arg19 : memref<16xf32, #tpu.memory_space<vmem>>) target(%dma_start3A_66 : memref<16xf32, #tpu.memory_space<hbm>>) target_semaphore(%run_scoped3A : memref<!tpu.dma_semaphore, #tpu.memory_space<semaphore_mem>>)
      %dma_wait3A = arith.constant 0 : i32
      %dma_wait3A_67 = tpu.memref_slice %arg6[%add3A, %dma_wait3A] : memref<32x16xf32, #tpu.memory_space<hbm>> -> memref<1x16xf32, #tpu.memory_space<hbm>>
      %dma_wait3A_68 = tpu.memref_squeeze %dma_wait3A_67 : memref<1x16xf32, #tpu.memory_space<hbm>> -> memref<16xf32, #tpu.memory_space<hbm>>
      %dma_wait3A_69 = arith.constant 0 : i32
      %dma_wait3A_70 = tpu.memref_slice %arg6[%add3A, %dma_wait3A_69] : memref<32x16xf32, #tpu.memory_space<hbm>> -> memref<1x16xf32, #tpu.memory_space<hbm>>
      %dma_wait3A_71 = tpu.memref_squeeze %dma_wait3A_70 : memref<1x16xf32, #tpu.memory_space<hbm>> -> memref<16xf32, #tpu.memory_space<hbm>>
      tpu.wait_dma2 semaphore(%run_scoped3A : memref<!tpu.dma_semaphore, #tpu.memory_space<semaphore_mem>>) src(%arg19 : memref<16xf32, #tpu.memory_space<vmem>>) dst(%dma_wait3A_71 : memref<16xf32, #tpu.memory_space<hbm>>)
      tpu.yield
    }) : () -> ()
    return
  }
}

</mosaic_0001>

<sc_bundles>
// kernel: kernel.3.cloned.1.call-start
scs
__scs_entry_jumppad:
0x0: {  	(pc) =	sbr.rel $0x88, $3  }
0x1: {  	(tag) =	ssettag $0x0;
	lr =	simm.s32 $0x1  }
0x2: {  	[smem:$0x3F99] =	sst lr;
	_ =	strace $0xD0000000  }
0x3: {  	_ = 	snop  }
0x4: {  	_ = 	snop  }
0x5: {  	_ = 	snop  }
0x6: {  	_ = 	snop  }
0x7: {  	_ = 	snop  }
__scs_overlays_trampoline_lowered:
0x8: {  	[smem:$0x3FA8] =	sst s0  }
0x9: {  	[smem:$0x3FA9] =	sst s1  }
0xa: {  	[smem:$0x3FAA] =	sst s2  }
0xb: {  	[smem:$0x3FAB] =	sst s3  }
0xc: {  	[smem:$0x3FAC] =	sst s4  }
0xd: {  	[smem:$0x3FAD] =	sst s5  }
0xe: {  	[smem:$0x3FAE] =	sst s6  }
0xf: {  	[smem:$0x3FAF] =	sst s7  }
0x10: {  	[smem:$0x3FB0] =	sst s8  }
0x11: {  	[smem:$0x3FB1] =	sst s9;
	s0 =	simm.s32 @!p0 $0x0  }
0x12: {  	s1 =	sld [smem:$0x3F97];
	s0 =	simm.s32 @p0 $0x1  }
0x13: {  	[smem:$0x3FB2] =	sst s0;
	s0 =	simm.s32 @!p1 $0x0  }
0x14: {  	s2 =	sld [smem:$0x3F96];
	s0 =	simm.s32 @p1 $0x1  }
0x15: {  	[smem:$0x3FB3] =	sst s0;
	s0 =	simm.s32 @!p2 $0x0  }
0x16: {  	s3 =	sld [smem:$0x3FDB];
	s0 =	simm.s32 @p2 $0x1  }
0x17: {  	s4 =	simm.s32 $0x1BF5;
	[smem:$0x3FB5] =	sst s0  }
0x18: {  	s0 =	sld [smem:$0x3F98];
	_ =	swait.ge [sflag:s4], $0x0  }
0x19: {  	s7 =	sld [smem:$0x3F99]  }
0x1a: {  	s8 =	sadd.s32 $0xFFFFE003, lr  }
0x1b: {  	s9 =	sadd.s32 $0xFFFFFEF7, lr;
	s5 =	simm.s32 $0xFFFFFFFF;
	p2 =	slt.u32 s8, $0xFFFFF086  }
0x1c: {  	p1 =	slt.u32 s9, $0xF7A;
	s5 =	simm.s32 @!p2 $0x0  }
0x1d: {  	s5 =	simm.s32 @p1 $0x1;
	p0 =	seq.s32 s7, s2  }
0x1e: {  	s7 =	smul.u32 @!p0 $0xF7A, s2;
	p2 =	seq.s32 @!p0 s5, $0x0  }
0x1f: {  	s9 =	smul.u32 $0xF7A, s1;
	s8 =	simm.s32 @!p0 $0x1BF5;
	p2 =	por !p2, p0  }
0x20: {  	[sflag:s8] =	ssyncset.s32 @!p0 $0xFFFFF086;
	s6 =	sadd.s32 @!p0 s3, s7;
	s7 =	simm.s32 @!p0 $0x108  }
0x21: {  	s3 =	sadd.s32 s3, s9;
	s6 =	sadd.s32 @!p0 $0x88, s6;
	s7 =	simm.s32 @p2 $0x1082  }
0x22: {  	[simem:s7], [sflag:s8] =	dma.local @!p0 [hbm:s6], $0xF7A  }
0x23: {  	s9 =	sor.u32 $0xD0000000, s2;
	s6 =	simm.s32 $0x108;
	_ =	swait.ge @!p0 [sflag:s8], $0x0  }
0x24: {  	s3 =	sadd.s32 $0x88, s3;
	s6 =	simm.s32 @!p1 $0x1082;
	[sflag:s4] =	ssyncset.s32 $0xFFFFF086  }
0x25: {  	[simem:s6], [sflag:s4] =	dma.local [hbm:s3], $0xF7A  }
0x26: {  	[smem:$0x3F99] =	sst s1;
	(tag) =	ssettag s2;
	_ =	strace s9  }
0x27: {  	s1 =	sld [smem:$0x3FA9]  }
0x28: {  	s2 =	sld [smem:$0x3FAA]  }
0x29: {  	s4 =	sld [smem:$0x3FAC]  }
0x2a: {  	p0 =	seq.s32 s5, $0x0;
	s5 =	sld [smem:$0x3FAD]  }
0x2b: {  	s6 =	sld [smem:$0x3FAE]  }
0x2c: {  	s7 =	sld [smem:$0x3FAF]  }
0x2d: {  	s3 =	simm.s32 $0x108;
	s8 =	sld [smem:$0x3FB0]  }
0x2e: {  	s3 =	simm.s32 @!p0 $0x1082;
	s9 =	sld [smem:$0x3FB1]  }
0x2f: {  	lr =	sadd.s32 s0, s3;
	s0 =	sld [smem:$0x3FA8]  }
0x30: {  	s3 =	sld [smem:$0x3FAB]  }
0x31: {  	[smem:$0x3FB4] =	sst s10  }
0x32: {  	s10 =	sld [smem:$0x3FB2];
	_ =	sdelay $0x3  }
0x33: {  	p0 =	seq.s32 s10, $0x1;
	s10 =	sld [smem:$0x3FB4];
	_ =	sdelay $0x3  }
0x34: {  	[smem:$0x3FB4] =	sst s10  }
0x35: {  	s10 =	sld [smem:$0x3FB3];
	_ =	sdelay $0x3  }
0x36: {  	p1 =	seq.s32 s10, $0x1;
	s10 =	sld [smem:$0x3FB4];
	_ =	sdelay $0x3  }
0x37: {  	[smem:$0x3FB4] =	sst s10  }
0x38: {  	s10 =	sld [smem:$0x3FB5]  }
0x39: {  	_ = 	snop;
	(pc) =	sbr.ind lr, $3  }
0x3a: {  	_ = 	snop  }
0x3b: {  	_ = 	snop  }
0x3c: {  	p2 =	seq.s32 s10, $0x1;
	s10 =	sld [smem:$0x3FB4]  }
0x3d: {  	_ =	shalt  }
0x3e: {  	_ =	shalt  }
0x3f: {  	_ =	shalt  }
0x40: {  	_ =	shalt  }
0x41: {  	_ =	shalt  }
0x42: {  	_ =	shalt  }
0x43: {  	_ =	shalt  }
0x44: {  	_ =	shalt  }
0x45: {  	_ =	shalt  }
0x46: {  	_ =	shalt  }
0x47: {  	_ =	shalt  }
0x48: {  	_ =	shalt  }
0x49: {  	_ =	shalt  }
0x4a: {  	_ =	shalt  }
0x4b: {  	_ =	shalt  }
0x4c: {  	_ =	shalt  }
0x4d: {  	_ =	shalt  }
0x4e: {  	_ =	shalt  }
0x4f: {  	_ =	shalt  }
0x50: {  	_ =	shalt  }
0x51: {  	_ =	shalt  }
0x52: {  	_ =	shalt  }
0x53: {  	_ =	shalt  }
0x54: {  	_ =	shalt  }
0x55: {  	_ =	shalt  }
0x56: {  	_ =	shalt  }
0x57: {  	_ =	shalt  }
0x58: {  	_ =	shalt  }
0x59: {  	_ =	shalt  }
0x5a: {  	_ =	shalt  }
0x5b: {  	_ =	shalt  }
0x5c: {  	_ =	shalt  }
0x5d: {  	_ =	shalt  }
0x5e: {  	_ =	shalt  }
0x5f: {  	_ =	shalt  }
0x60: {  	_ =	shalt  }
0x61: {  	_ =	shalt  }
0x62: {  	_ =	shalt  }
0x63: {  	_ =	shalt  }
0x64: {  	_ =	shalt  }
0x65: {  	_ =	shalt  }
0x66: {  	_ =	shalt  }
0x67: {  	_ =	shalt  }
0x68: {  	_ =	shalt  }
0x69: {  	_ =	shalt  }
0x6a: {  	_ =	shalt  }
0x6b: {  	_ =	shalt  }
0x6c: {  	_ =	shalt  }
0x6d: {  	_ =	shalt  }
0x6e: {  	_ =	shalt  }
0x6f: {  	_ =	shalt  }
0x70: {  	_ =	shalt  }
0x71: {  	_ =	shalt  }
0x72: {  	_ =	shalt  }
0x73: {  	_ =	shalt  }
0x74: {  	_ =	shalt  }
0x75: {  	_ =	shalt  }
0x76: {  	_ =	shalt  }
0x77: {  	_ =	shalt  }
0x78: {  	_ =	shalt  }
0x79: {  	_ =	shalt  }
0x7a: {  	_ =	shalt  }
0x7b: {  	_ =	shalt  }
0x7c: {  	_ =	shalt  }
0x7d: {  	_ =	shalt  }
0x7e: {  	_ =	shalt  }
0x7f: {  	_ =	shalt  }
0x80: {  	_ =	shalt  }
0x81: {  	_ =	shalt  }
0x82: {  	_ =	shalt  }
0x83: {  	_ =	shalt  }
0x84: {  	_ =	shalt  }
0x85: {  	_ =	shalt  }
0x86: {  	_ =	shalt  }
0x87: {  	_ =	shalt  }
.Lfunc_end0:
.L_simem_size_0:
called_computation_lowered:
.L_overlay_start_0:
0x88: {  	s2 =	sld [smem:$0x3FD9]  }
0x89: {  	s3 =	sld [smem:$0x3FFE];
	_ =	sdelay $0x1  }
0x8a: {  	s1 =	srdreg.scid  }
0x8b: {  	s0 =	sand.u32 $0x1, s1  }
0x8c: {  	s17 =	sshll.u32 s0, $0xA;
	s2 =	sadd.s32 s3, s2  }
0x8d: {  	s2 =	sadd.s32 s2, s17  }
0x8e: {  	[smem:$0x3FC0] =	sst s2  }
0x8f: {  	_ = 	snop  }
0x90: {  	s2 =	sld [smem:$0x3FC9]  }
0x91: {  	s18 =	sld [smem:$0x3FC8];
	(tm) =	ssettm $0x1  }
0x92: {  	s4 =	sld [smem:$0x3FFB];
	_ =	sdelay $0x3  }
0x93: {  	_ =	strace s4  }
0x94: {  	s4 =	sld [smem:$0x3FFC];
	_ =	sdelay $0x3  }
0x95: {  	_ =	strace s4  }
0x96: {  	s4 =	sld [smem:$0x3FFD];
	_ =	sdelay $0x3  }
0x97: {  	_ =	strace s4  }
0x98: {  	_ =	strace $0x8FFFFFFF  }
0x99: {  	s19 =	sld [smem:$0x3FDB];
	_ =	sdelay $0x1  }
0x9a: {  	s5 =	simm.s32 $_scs_section_size  }
0x9b: {  	s6 =	simm.s32 $_size__tile_overlayer_lowered;
	s7 =	simm.s32 $_tile_overlayer_lowered  }
0x9c: {  	s22 =	simm.s32 $0x1BFF;
	s21 =	sshll.u32 s7, $0x1;
	s4 =	sadd.s32 s5, s19  }
0x9d: {  	s8 =	simm.s32 $0x0;
	s20 =	sshll.u32 s6, $0x1;
	s6 =	sadd.s32 s21, s4  }
0x9e: {  	[timem:s8], [sflag:s22] =	dma.local [hbm:s6], s20  }
0x9f: {  	_ =	swait.ge [sflag:s22], s20  }
0xa0: {  	s5 =	ssub.s32 $0x0, s20;
	[sflag:s22] =	ssyncset.done $0x0  }
0xa1: {  	[sflag:s22] =	ssyncadd.s32 s5;
	_ =	sdelay $0x1  }
0xa2: {  	s23 =	simm.s32 $0x1B8B  }
0xa3: {  	_ =	swait.ge [sflag:s23], $0x1  }
0xa4: {  	[sflag:s23] =	ssyncset.done $0x0  }
0xa5: {  	s25 =	simm.s32 $0x1B8E;
	s24 =	sld [smem:$0x3FFE];
	[sflag:s23] =	ssyncadd.s32 $0xFFFFFFFF  }
0xa6: {  	s26 =	simm.s32 $execute0_lowered;
	[smem:$0x3FD2] =	sst s25  }
0xa7: {  	s6 =	sshll.u32 s26, $0x1;
	_ =	strace $0x80000046;
	[dreg:$0x1] =	wrdreg $0xFFFFFFFF  }
0xa8: {  	s28 =	simm.s32 $_size_execute0_lowered;
	s4 =	sadd.s32 s4, s6;
	[dreg:$0x0] =	wrdreg $0x0  }
0xa9: {  	s6 =	sshll.u32 s28, $0x1;
	[dreg:$0x2] =	wrdreg s4  }
0xaa: {  	[dreg:$0x3] =	wrdreg s6  }
0xab: {  	[dreg:$0x4] =	wrdreg $0xC0  }
0xac: {  	_ =	task [dreg:s8], $0x5FFFF  }
0xad: {  	[dreg:$0x1] =	wrdreg $0xFFFFFFFF  }
0xae: {  	[dreg:$0x0] =	wrdreg $0x60  }
0xaf: {  	[dreg:$0x2] =	wrdreg s2  }
0xb0: {  	[dreg:$0x3] =	wrdreg s18  }
0xb1: {  	[dreg:$0x4] =	wrdreg s24  }
0xb2: {  	[dreg:$0x5] =	wrdreg $0x9  }
0xb3: {  	_ =	task.clear_ibuf [dreg:s8], $0x6FFFF;
	_ =	strace $0x90000046  }
0xb4: {  	s29 =	simm.s32 $0x9;
	_ =	strace $0x80000048  }
0xb5: {  	_ =	swait.ge [sflag:s29], $0x1  }
0xb6: {  	[sflag:s29] =	ssyncadd.s32 $0xFFFFFFFF  }
0xb7: {  	_ =	strace $0x90000048  }
0xb8: {  	_ =	sfence  }
0xb9: {  	s30 =	sld [smem:$0x0];
	_ =	sdelay $0x2  }
0xba: {  	s31 =	sshll.u32 s1, $0xD;
	s1 =	sshrl.u32 s1, $0x2  }
0xbb: {  	s3 =	sand.u32 $0x4000, s31;
	s1 =	sadd.s32 s1, s30  }
0xbc: {  	s0 =	sor.u32 s3, s0;
	s1 =	sshll.u32 s1, $0x11  }
0xbd: {  	s0 =	sor.u32 s1, s0  }
0xbe: {  	s0 =	sadd.s32 $0x8F2B, s0  }
0xbf: {  	[sflag:s0] =	ssyncadd.remote.s32 $0x1  }
0xc0: {  	_ =	sfence.sel $0xFFFF  }
0xc1: {  	[dreg:$0x0] =	wrdreg $0xFFFFFFFF;
	(pc) =	sbr.abs _section_cstart, $3  }
0xc2: {  	[dreg:$0x1] =	wrdreg $0xFFFFFFFF  }
0xc3: {  	_ =	task.clear_ibuf [dreg:s8], $0x2FFFF;
	_ =	strace $0x9FFFFFFF  }
0xc4: {  	(tm) =	ssettm $0x7FFFFFFF  }
0xc5: {  	_ =	shalt  }
tec
execute0_lowered:
.L_overlay_start_1:
0x0: {  	(tag) =	ssettag $0x1  }
0x1: {  	s1 =	rddreg [dreg:$0x0]  }
0x2: {  	s3 =	rddreg [dreg:$0x1]  }
0x3: {  	s0 =	rddreg [dreg:$0x2]  }
0x4: {  	s2 =	srdreg.scid;
	s14 =	stileid.u32  }
0x5: {  	s4 =	simm.s32 $0x0;
	s20 =	simm.s32 $0x1;
	s21 =	simm.s32 $0x10  }
0x6: {  	s22 =	simm.s32 $0x2;
	s23 =	simm.s32 $0x38A0;
	s24 =	simm.s32 $0xF8A0  }
0x7: {  	s25 =	simm.s32 $0x1B8A0;
	s26 =	simm.s32 $0x0;
	s2 =	sand.u32 $0x1, s2  }
0x8: {  	s5 =	sshll.u32 s14, $0x1;
	[smem:$0x7FF] =	sst s4;
	s10 =	sadd.s32 $0x1E00, s0  }
0x9: {  	s14 =	smul.u32 $0x500, s14;
	s5 =	sor.u32 s2, s5;
	_ =	strace $0x80000047  }
0xa: {  	s7 =	ssub.s32 $0x2, s2;
	s6 =	smul.u32 $0x280, s5;
	s5 =	sshll.u32 s5, $0x1  }
0xb: {  	s31 =	smul.u32 $0x280, s2;
	s30 =	sshrl.u32 s7, $0x1;
	s11 =	sadd.s32 s5, s0  }
.Ltmp0:
0xc: {  	s12 =	ssub.s32 s7, s30;
	s8 =	sshrl.u32 s6, $0x3;
	(pc) =	sbr.rel .LBB2_1-.Ltmp0, $4  }
0xd: {  	v0 =	vlaneseq.u32;
	s11 =	sadd.s32 $0x3C00, s11;
	s12 =	smax.u32 s12, $0x1;
	s5 =	sadd.s32 s0, s8  }
0xe: {  	v2 =	vmul.u32 $0xFFFFFFFF, v0;
	s9 =	sadd.s32 $0xA00, s8;
	s13 =	sadd.s32 $0x1400, s8;
	s8 =	sadd.s32 s10, s8  }
0xf: {  	v1 =	vimm.s32 $0xFFF00000;
	s6 =	sadd.s32 s0, s9;
	s7 =	sadd.s32 s0, s13;
	s9 =	sadd.s32 s10, s9  }
0x10: {  	vm0 =	vmmov $0x1;
	v0 =	vimm.s32 $0x0;
	v2 =	vadd.s32 $0x4F0A, v2;
	s10 =	sadd.s32 s10, s13;
	s13 =	sadd.s32 s31, s14;
	s14 =	simm.s32 $0x3  }
.LBB2_18:
0x11: {  	s26 =	sadd.s32 $0x1, s26  }
0x12: {  	p0 =	sne.s32 s26, s12  }
.Ltmp1:
0x13: {  	[tilespmem:$0x1B8A0] =	vst v3;
	(pc) =	sbr.rel @!p0 .LBB2_19-.Ltmp1, $4  }
0x14: {  	[hbm4b:s11+s4] =	stream.linear.scatter [tilespmem:s25], [sflag:$0x3], $0x10, $0x38;
	[tilespmem:$0x1B8B0] =	vst v63  }
0x15: {  	_ =	swait.ge [sflag:s14], $0x10  }
0x16: {  	[sflag:s14] =	ssyncset.done $0x0  }
0x17: {  	[sflag:s14] =	ssyncadd.s32 $0xFFFFFFF0  }
.LBB2_1:
0x18: {  	[tilespmem:s4], [sflag:$0x3] =	stream.linear.gather [hbm4b:s5+s4], $0x280, $0x38;
	[tilespmem:$0x1B8B0] =	vst v63  }
0x19: {  	_ =	swait.ge [sflag:s14], $0x280  }
0x1a: {  	[sflag:s14] =	ssyncset.done $0x0  }
0x1b: {  	s0 =	simm.s32 $0x280;
	[sflag:s14] =	ssyncadd.s32 $0xFFFFFD80  }
0x1c: {  	[tilespmem:s0], [sflag:$0x3] =	stream.linear.gather [hbm4b:s6+s4], $0x280, $0x38;
	[tilespmem:$0x1B8B0] =	vst v63  }
0x1d: {  	_ =	swait.ge [sflag:s14], $0x280  }
0x1e: {  	[sflag:s14] =	ssyncset.done $0x0  }
0x1f: {  	s28 =	simm.s32 $0x500;
	[sflag:s14] =	ssyncadd.s32 $0xFFFFFD80  }
0x20: {  	[tilespmem:s28], [sflag:$0x3] =	stream.linear.gather [hbm4b:s7+s4], $0x280, $0x38;
	[tilespmem:$0x1B8B0] =	vst v63  }
0x21: {  	_ =	swait.ge [sflag:s14], $0x280  }
0x22: {  	[sflag:s14] =	ssyncset.done $0x0  }
0x23: {  	s29 =	simm.s32 $0x780;
	[sflag:s14] =	ssyncadd.s32 $0xFFFFFD80  }
0x24: {  	[tilespmem:s29], [sflag:$0x3] =	stream.linear.gather [hbm4b:s8+s4], $0x280, $0x38;
	[tilespmem:$0x1B8B0] =	vst v63  }
0x25: {  	_ =	swait.ge [sflag:s14], $0x280  }
0x26: {  	[sflag:s14] =	ssyncset.done $0x0  }
0x27: {  	s30 =	simm.s32 $0xA00;
	[sflag:s14] =	ssyncadd.s32 $0xFFFFFD80  }
0x28: {  	[tilespmem:s30], [sflag:$0x3] =	stream.linear.gather [hbm4b:s9+s4], $0x280, $0x38;
	[tilespmem:$0x1B8B0] =	vst v63  }
0x29: {  	_ =	swait.ge [sflag:s14], $0x280  }
0x2a: {  	[sflag:s14] =	ssyncset.done $0x0  }
0x2b: {  	s31 =	simm.s32 $0xC80;
	[sflag:s14] =	ssyncadd.s32 $0xFFFFFD80  }
0x2c: {  	[tilespmem:s31], [sflag:$0x3] =	stream.linear.gather [hbm4b:s10+s4], $0x280, $0x38;
	[tilespmem:$0x1B8B0] =	vst v63  }
0x2d: {  	_ =	swait.ge [sflag:s14], $0x280  }
0x2e: {  	[sflag:s14] =	ssyncset.done $0x0  }
0x2f: {  	s2 =	simm.s32 $0x0;
	s0 =	simm.s32 $0x40;
	[sflag:s14] =	ssyncadd.s32 $0xFFFFFD80  }
.LBB2_2:
0x30: {  	p0 =	sne.s32 s0, $0x3000;
	[tilespmem:s2+$0x2090] =	vst v0;
	s2 =	smov.u32 s0;
	s0 =	sadd.s32 $0x40, s0  }
.Ltmp2:
0x31: {  	(pc) =	sbr.rel @p0 .LBB2_2-.Ltmp2, $2  }
0x32: {  	_ =	sdelay $0x2  }
0x33: {  	s2 =	sshra.s32 s2, $0x2  }
0x34: {  	[tilespmem:s2+$0x2090] =	vst v0  }
0x35: {  	s28 =	simm.s32 $0x0;
	[tilespmem:$0xF00] =	vst v1  }
0x36: {  	v3 =	vld [tilespmem:s28+$0x0]  }
0x37: {  	v4 =	vld [tilespmem:s28+$0x280];
	_ =	sdelay $0x1  }
0x38: {  	v5 =	vld [tilespmem:s28+$0x500];
	_ =	sdelay $0x2  }
0x39: {  	v3 =	vshll.u32 v3, $0xE;
	v4 =	vshll.u32 v4, $0x7  }
0x3a: {  	v3 =	vadd.s32 v3, v4  }
0x3b: {  	v3 =	vadd.s32 v5, v3  }
0x3c: {  	[tilespmem:s28+$0xF10] =	vst v3  }
0x3d: {  	v4 =	vld [tilespmem:s28+$0xF0F];
	_ =	sdelay $0x3  }
0x3e: {  	v5 =	vadd.s32 $0xFFFFFFFF, v3  }
0x3f: {  	v6 =	vadd.s32 $0x1, v3;
	v7 =	vadd.s32 $0xFFFFC000, v3;
	v8 =	vadd.s32 $0xFFFFFFFF, v4  }
0x40: {  	v9 =	vadd.s32 $0x4000, v3;
	v5 =	vshra.s32 v5, $0x4;
	v8 =	vshra.s32 v8, $0x4  }
0x41: {  	v10 =	vadd.s32 $0xFFFFFF80, v3;
	v11 =	vadd.s32 $0x1, v4;
	vm1 =	vne.s32 v5, v8  }
0x42: {  	v6 =	vshra.s32 v6, $0x4;
	v47 =	vshra.s32 v11, $0x4;
	vm6 =	vmor vm1, vm0  }
0x43: {  	v48 =	vadd.s32 $0xFFFFC000, v4;
	vm1 =	vne.s32 v6, v47;
	v49 =	vsel vm6, $0x1, v0  }
0x44: {  	v7 =	vshra.s32 v7, $0x4;
	v11 =	vshra.s32 v48, $0x4;
	vm4 =	vmor vm1, vm0;
	(xrf0) =	vadd.scan.msk.s32 $0xffff, v49  }
0x45: {  	v50 =	vadd.s32 $0x4000, v4;
	vm1 =	vne.s32 v7, v11;
	v12 =	vsel vm4, $0x1, v0  }
0x46: {  	v9 =	vshra.s32 v9, $0x4;
	v8 =	vshra.s32 v50, $0x4;
	vm2 =	vmor vm1, vm0;
	(xrf0) =	vadd.scan.msk.s32 $0xffff, v12  }
0x47: {  	v51 =	vadd.s32 $0xFFFFFF80, v4;
	vm1 =	vne.s32 v9, v8;
	v52 =	vsel vm2, $0x1, v0  }
0x48: {  	v10 =	vshra.s32 v10, $0x4;
	v11 =	vshra.s32 v51, $0x4;
	vm5 =	vmor vm1, vm0;
	(xrf0) =	vadd.scan.msk.s32 $0xffff, v52  }
0x49: {  	vm1 =	vne.s32 v10, v11;
	v53 =	vsel vm5, $0x1, v0  }
0x4a: {  	v4 =	vadd.s32 $0x80, v4;
	vm3 =	vmor vm1, vm0;
	(xrf0) =	vadd.scan.msk.s32 $0xffff, v53;
	v54, _, _ =	vpop (xrf0)  }
0x4b: {  	v4 =	vshra.s32 v4, $0x4;
	v55 =	vsel vm3, $0x1, v0;
	(v2sf) =	vpush v54, $0xF  }
0x4c: {  	v3 =	vadd.s32 $0x80, v3;
	(xrf0) =	vadd.scan.msk.s32 $0xffff, v55;
	v56, _, _ =	vpop (xrf0)  }
0x4d: {  	v3 =	vshra.s32 v3, $0x4;
	(v2sf) =	vpush v56, $0xF  }
0x4e: {  	vm1 =	vne.s32 v3, v4;
	v4, _, _ =	vpop (xrf0)  }
0x4f: {  	vm1 =	vmor vm1, vm0;
	(v2sf) =	vpush v4, $0xF  }
0x50: {  	v57 =	vsel vm1, $0x1, v0;
	v13, _, _ =	vpop (xrf0)  }
0x51: {  	(xrf0) =	vadd.scan.msk.s32 $0xffff, v57;
	(v2sf) =	vpush v13, $0xF  }
0x52: {  	v58, _, _ =	vpop (xrf0)  }
0x53: {  	(v2sf) =	vpush v58, $0xF;
	_ =	sdelay $0x3  }
0x54: {  	v14, _, _ =	vpop (xrf0)  }
0x55: {  	(v2sf) =	vpush v14, $0xF  }
0x56: {  	s0 =	simm.s32 $0x0  }
0x57: {  	v15 =	vmov s0;
	s19 =	spop (v2sf)  }
0x58: {  	v15 =	vadd.s32 $0xFFFFFFFF, v15;
	s2 =	sadd.s32 $0x0, s19  }
0x59: {  	v15 =	vbroadcast v15, $0x0;
	s15 =	spop (v2sf);
	v16 =	vmov s2  }
0x5a: {  	s15 =	sadd.s32 s15, s2;
	v16 =	vadd.s32 $0xFFFFFFFF, v16  }
0x5b: {  	v8 =	vadd.s32 v54, v15;
	s16 =	spop (v2sf);
	v60 =	vmov s15;
	v59 =	vbroadcast v16, $0x0  }
0x5c: {  	[tilespmem:s28+$0x1190] =	vst v8;
	s16 =	sadd.s32 s16, s15;
	v61 =	vadd.s32 $0xFFFFFFFF, v60  }
0x5d: {  	[tilespmem:s0+$0x2090] =	vst.msk vm6, v5;
	s17 =	spop (v2sf);
	v62 =	vmov s16;
	v8 =	vbroadcast v61, $0x0;
	v5 =	vadd.s32 v56, v59  }
0x5e: {  	s17 =	sadd.s32 s17, s16;
	[tilespmem:s28+$0x1410] =	vst v5;
	v5 =	vadd.s32 $0xFFFFFFFF, v62  }
0x5f: {  	v63 =	vmov s17;
	s30 =	spop (v2sf);
	v4 =	vadd.s32 v4, v8;
	[tilespmem:s2+$0x2090] =	vst.msk vm4, v6;
	v5 =	vbroadcast v5, $0x0  }
0x60: {  	v6 =	vadd.s32 $0xFFFFFFFF, v63;
	s2 =	sadd.s32 s30, s17;
	[tilespmem:s28+$0x1690] =	vst v4  }
0x61: {  	v4 =	vbroadcast v6, $0x0;
	v6 =	vmov s2;
	[tilespmem:s15+$0x2090] =	vst.msk vm2, v7;
	v5 =	vadd.s32 v13, v5  }
0x62: {  	v6 =	vadd.s32 $0xFFFFFFFF, v6;
	[tilespmem:s28+$0x1910] =	vst v5  }
0x63: {  	v4 =	vadd.s32 v58, v4;
	v5 =	vbroadcast v6, $0x0;
	[tilespmem:s16+$0x2090] =	vst.msk vm5, v9  }
0x64: {  	s31 =	spop (v2sf);
	[tilespmem:s28+$0x1B90] =	vst v4  }
0x65: {  	s0 =	simm.s32 $0x40;
	s29 =	sadd.s32 s31, s2;
	v4 =	vadd.s32 v14, v5;
	[tilespmem:s17+$0x2090] =	vst.msk vm3, v10  }
.LBB2_4:
0x66: {  	p0 =	sne.s32 s0, $0x9C0;
	[tilespmem:s28+$0x1E10] =	vst v4;
	s15 =	smov.u32 s0;
	s0 =	sadd.s32 $0x40, s0  }
0x67: {  	s28 =	sshra.s32 s15, $0x2;
	[tilespmem:s2+$0x2090] =	vst.msk vm1, v3  }
0x68: {  	v3 =	vld [tilespmem:s28+$0x0]  }
0x69: {  	v4 =	vld [tilespmem:s28+$0x280]  }
0x6a: {  	v5 =	vld [tilespmem:s28+$0x500];
	_ =	sdelay $0x2  }
0x6b: {  	v3 =	vshll.u32 v3, $0xE  }
0x6c: {  	v4 =	vshll.u32 v4, $0x7  }
0x6d: {  	v3 =	vadd.s32 v3, v4  }
0x6e: {  	v3 =	vadd.s32 v5, v3  }
0x6f: {  	[tilespmem:s28+$0xF10] =	vst v3;
	v6 =	vadd.s32 $0xFFFFFFFF, v3;
	v7 =	vadd.s32 $0x1, v3;
	v8 =	vadd.s32 $0xFFFFC000, v3  }
0x70: {  	v4 =	vadd.s32 $0x4000, v3;
	v10 =	vadd.s32 $0xFFFFFF80, v3;
	v3 =	vadd.s32 $0x80, v3;
	v9 =	vld [tilespmem:s28+$0xF0F];
	_ =	sdelay $0x2  }
0x71: {  	v5 =	vshra.s32 v4, $0x4;
	v4 =	vshra.s32 v10, $0x4;
	v3 =	vshra.s32 v3, $0x4  }
0x72: {  	v6 =	vshra.s32 v6, $0x4;
	v7 =	vshra.s32 v7, $0x4;
	v8 =	vshra.s32 v8, $0x4  }
0x73: {  	v10 =	vadd.s32 $0xFFFFFFFF, v9;
	v11 =	vadd.s32 $0x1, v9;
	v12 =	vadd.s32 $0xFFFFFF80, v9  }
0x74: {  	v13 =	vadd.s32 $0xFFFFC000, v9;
	v10 =	vshra.s32 v10, $0x4;
	v11 =	vshra.s32 v11, $0x4  }
0x75: {  	vm1 =	vne.s32 v6, v10;
	vm2 =	vne.s32 v7, v11;
	v10 =	vshra.s32 v13, $0x4  }
0x76: {  	v11 =	vadd.s32 $0x4000, v9;
	v9 =	vadd.s32 $0x80, v9;
	vm6 =	vmor vm1, vm0  }
0x77: {  	vm3 =	vmor vm2, vm0;
	v11 =	vshra.s32 v11, $0x4;
	v13 =	vsel vm6, $0x1, v0  }
0x78: {  	v14 =	vsel vm3, $0x1, v0;
	vm1 =	vne.s32 v5, v11;
	v11 =	vshra.s32 v12, $0x4;
	(xrf0) =	vadd.scan.msk.s32 $0xffff, v13  }
0x79: {  	vm2 =	vne.s32 v8, v10;
	v9 =	vshra.s32 v9, $0x4;
	vm5 =	vne.s32 v4, v11  }
0x7a: {  	vm4 =	vmor vm2, vm0;
	vm7 =	vne.s32 v3, v9;
	(xrf0) =	vadd.scan.msk.s32 $0xffff, v14  }
0x7b: {  	v9 =	vmov s29;
	v10 =	vsel vm4, $0x1, v0;
	vm2 =	vmor vm1, vm0  }
0x7c: {  	v9 =	vadd.s32 $0xFFFFFFFF, v9;
	v12 =	vsel vm2, $0x1, v0;
	(xrf0) =	vadd.scan.msk.s32 $0xffff, v10  }
0x7d: {  	v9 =	vbroadcast v9, $0x0;
	vm5 =	vmor vm5, vm0;
	(xrf0) =	vadd.scan.msk.s32 $0xffff, v12  }
0x7e: {  	vm1 =	vmor vm7, vm0;
	v13 =	vsel vm5, $0x1, v0;
	v11, _, _ =	vpop (xrf0)  }
0x7f: {  	v12 =	vsel vm1, $0x1, v0;
	v9 =	vadd.s32 v11, v9;
	(v2sf) =	vpush v11, $0xF;
	(xrf0) =	vadd.scan.msk.s32 $0xffff, v13  }
0x80: {  	v10, _, _ =	vpop (xrf0);
	(xrf0) =	vadd.scan.msk.s32 $0xffff, v12  }
0x81: {  	(v2sf) =	vpush v10, $0xF  }
0x82: {  	v11, _, _ =	vpop (xrf0)  }
0x83: {  	(v2sf) =	vpush v11, $0xF;
	v12, _, _ =	vpop (xrf0)  }
0x84: {  	(v2sf) =	vpush v12, $0xF  }
0x85: {  	v13, _, _ =	vpop (xrf0)  }
0x86: {  	(v2sf) =	vpush v13, $0xF;
	v14, _, _ =	vpop (xrf0)  }
0x87: {  	(v2sf) =	vpush v14, $0xF;
	_ =	sdelay $0x6  }
0x88: {  	s2 =	spop (v2sf)  }
0x89: {  	s2 =	sadd.s32 s29, s2  }
0x8a: {  	v15 =	vmov s2;
	s15 =	spop (v2sf)  }
0x8b: {  	v15 =	vadd.s32 $0xFFFFFFFF, v15;
	s15 =	sadd.s32 s15, s2  }
0x8c: {  	v15 =	vbroadcast v15, $0x0;
	v16 =	vmov s15;
	s16 =	spop (v2sf)  }
0x8d: {  	[tilespmem:s28+$0x1190] =	vst v9;
	v9 =	vadd.s32 $0xFFFFFFFF, v16;
	s16 =	sadd.s32 s16, s15;
	s17 =	spop (v2sf)  }
0x8e: {  	[tilespmem:s29+$0x2090] =	vst.msk vm6, v6;
	v6 =	vadd.s32 v10, v15;
	v9 =	vbroadcast v9, $0x0;
	v10 =	vmov s16;
	s17 =	sadd.s32 s17, s16  }
0x8f: {  	[tilespmem:s28+$0x1410] =	vst v6;
	v6 =	vadd.s32 $0xFFFFFFFF, v10;
	v10 =	vmov s17;
	s18 =	spop (v2sf)  }
0x90: {  	[tilespmem:s2+$0x2090] =	vst.msk vm3, v7;
	v7 =	vadd.s32 v11, v9;
	v6 =	vbroadcast v6, $0x0;
	v9 =	vadd.s32 $0xFFFFFFFF, v10;
	s2 =	sadd.s32 s18, s17;
	s18 =	spop (v2sf)  }
0x91: {  	[tilespmem:s28+$0x1690] =	vst v7;
	v7 =	vbroadcast v9, $0x0;
	v9 =	vmov s2;
	s29 =	sadd.s32 s18, s2  }
.Ltmp3:
0x92: {  	[tilespmem:s15+$0x2090] =	vst.msk vm4, v8;
	v6 =	vadd.s32 v12, v6;
	v8 =	vadd.s32 $0xFFFFFFFF, v9;
	(pc) =	sbr.rel @p0 .LBB2_4-.Ltmp3, $4  }
0x93: {  	[tilespmem:s28+$0x1910] =	vst v6;
	v6 =	vadd.s32 v13, v7;
	v7 =	vbroadcast v8, $0x0  }
0x94: {  	[tilespmem:s16+$0x2090] =	vst.msk vm2, v5  }
0x95: {  	[tilespmem:s28+$0x1B90] =	vst v6  }
0x96: {  	[tilespmem:s17+$0x2090] =	vst.msk vm5, v4;
	v4 =	vadd.s32 v14, v7  }
0x97: {  	s0 =	sadd.s32 $0xF, s29  }
0x98: {  	s15 =	sand.u32 $0xF, s0  }
0x99: {  	s31 =	sshra.s32 s0, $0x1F;
	p1 =	slt.s32 s0, $0x1;
	p0 =	sne.s32 s15, $0x0  }
0x9a: {  	s15 =	sshrl.u32 s31, $0x1C;
	p0 =	por !p1, !p0  }
0x9b: {  	s0 =	sadd.s32 s15, s0;
	s15 =	simm.s32 $0x1;
	p0 =	por !p0, !p0  }
0x9c: {  	s0 =	sshra.s32 s0, $0x4;
	s15 =	simm.s32 @!p0 $0x0  }
0x9d: {  	[tilespmem:s28+$0x1E10] =	vst v4;
	s28 =	ssub.s32 s0, s15  }
0x9e: {  	s29 =	simm.s32 $0x0;
	[tilespmem:s2+$0x2090] =	vst.msk vm1, v3;
	v3 =	vimm.f32 $0.0e+00;
	p0 =	slt.s32 s28, $0x1  }
.LBB2_6:
.Ltmp4:
0x9f: {  	(pc) =	sbr.rel @p0 .LBB2_15-.Ltmp4, $1  }
0xa0: {  	_ =	sdelay $0x3  }
0xa1: {  	p1 =	sne.s32 s28, $0x1  }
.Ltmp5:
0xa2: {  	_ = 	snop;
	(pc) =	sbr.rel @!p1 .LBB2_8-.Ltmp5, $4  }
0xa3: {  	_ = 	snop  }
0xa4: {  	s0 =	sshll.u32 s29, $0x11  }
0xa5: {  	s2 =	simm.s32 $0xF8A0;
	s15 =	simm.s32 $0x38A0;
	s16 =	simm.s32 $0x2090  }
0xa6: {  	s30 =	simm.s32 $0x2CA0;
	p2 =	por $0x0, $0x0;
	v4 =	vmov s0;
	v5 =	vld [tilespmem:s16+$0x0];
	s0 =	sadd.s32 $0xFFFFFFFF, s28  }
0xa7: {  	_ =	sdelay $0x3  }
0xa8: {  	p3 =	sne.s32 s0, $0x1;
	v5 =	vadd.s32 v4, v5  }
.Ltmp6:
0xa9: {  	[tilespmem:s30+$0x0] =	vst v5;
	(pc) =	sbr.rel @!p3 .LBB2_10-.Ltmp6, $4  }
0xaa: {  	[tilespmem:s15], [sflag:$0x1] =	stream.indirect.gather [hbm4b:s1+s21], $0x10, s30, s21, $0xb8;
	[tilespmem:$0x1B8B0] =	vst v63  }
0xab: {  	s18 =	simm.s32 $0x20A0;
	s19 =	sadd.s32 $0xFFFFFFFF, s0;
	p2 =	por $0x1, $0x1  }
0xac: {  	[tilespmem:s2], [sflag:$0x2] =	stream.indirect.gather [hbm4b:s3+s21], $0x10, s30, s21, $0xb8;
	[tilespmem:$0x1B8B0] =	vst v63  }
0xad: {  	s31 =	simm.s32 $0x38A0;
	s17 =	simm.s32 $0x2CA0;
	s16 =	simm.s32 $0xF8A0;
	v5 =	vld [tilespmem:s18+$0x0]  }
.LBB2_11:
0xae: {  	p3 =	sne.s32 s19, $0x1;
	_ =	sdelay $0x3  }
.Ltmp7:
0xaf: {  	s31 =	sadd.s32 $0x100, s31;
	s17 =	sadd.s32 $0x10, s17;
	v5 =	vadd.s32 v4, v5;
	(pc) =	sbr.rel @p3 .LBB2_11-.Ltmp7, $4  }
0xb0: {  	[tilespmem:s17+$0x0] =	vst v5;
	[tilespmem:s31], [sflag:$0x1] =	stream.indirect.gather [hbm4b:s1+s21], $0x10, s17, s21, $0xb8  }
0xb1: {  	s18 =	sadd.s32 $0x10, s18;
	s16 =	sadd.s32 $0x100, s16  }
0xb2: {  	[tilespmem:s16], [sflag:$0x2] =	stream.indirect.gather [hbm4b:s3+s21], $0x10, s17, s21, $0xb8;
	[tilespmem:$0x1B8B0] =	vst v63  }
0xb3: {  	s19 =	sadd.s32 $0xFFFFFFFF, s19;
	v5 =	vld [tilespmem:s18+$0x0]  }
.LBB2_12:
0xb4: {  	_ =	sdelay $0x2  }
0xb5: {  	s17 =	sadd.s32 @p2 $0x10, s17  }
0xb6: {  	s18 =	sadd.s32 @p2 $0x100, s31;
	s30 =	smov.u32 @p2 s17;
	v4 =	vadd.s32 v4, v5  }
0xb7: {  	s15 =	smov.u32 @p2 s18;
	[tilespmem:s30+$0x0] =	vst v4  }
0xb8: {  	[tilespmem:s15], [sflag:$0x1] =	stream.indirect.gather [hbm4b:s1+s21], $0x10, s30, s21, $0xb8;
	[tilespmem:$0x1B8B0] =	vst v63  }
0xb9: {  	s15 =	sadd.s32 @p2 $0x100, s16  }
0xba: {  	s2 =	smov.u32 @p2 s15  }
0xbb: {  	[tilespmem:s2], [sflag:$0x2] =	stream.indirect.gather [hbm4b:s3+s21], $0x10, s30, s21, $0xb8;
	[tilespmem:$0x1B8B0] =	vst v63  }
.Ltmp8:
0xbc: {  	_ =	swait.ge [sflag:s20], $0x100;
	(pc) =	sbr.rel @!p1 .LBB2_14-.Ltmp8, $4  }
0xbd: {  	[sflag:s20] =	ssyncset.done $0x0  }
0xbe: {  	[sflag:s20] =	ssyncadd.s32 $0xFFFFFF00  }
0xbf: {  	_ =	swait.ge [sflag:s22], $0x100  }
0xc0: {  	[sflag:s22] =	ssyncset.done $0x0  }
.LBB2_13:
0xc1: {  	p1 =	sne.s32 s0, $0x1;
	s0 =	sadd.s32 $0xFFFFFFFF, s0;
	[sflag:s22] =	ssyncadd.s32 $0xFFFFFF00  }
.Ltmp9:
0xc2: {  	_ =	swait.ge [sflag:s20], $0x100;
	(pc) =	sbr.rel @p1 .LBB2_13-.Ltmp9, $4  }
0xc3: {  	[sflag:s20] =	ssyncset.done $0x0  }
0xc4: {  	[sflag:s20] =	ssyncadd.s32 $0xFFFFFF00  }
0xc5: {  	_ =	swait.ge [sflag:s22], $0x100  }
0xc6: {  	[sflag:s22] =	ssyncset.done $0x0  }
.LBB2_14:
0xc7: {  	[sflag:s22] =	ssyncadd.s32 $0xFFFFFF00  }
.LBB2_15:
0xc8: {  	s2 =	simm.s32 $0x0  }
0xc9: {  	v4 =	vld [tilespmem:s2+$0x1690]  }
0xca: {  	v5 =	vld [tilespmem:s2+$0xF10]  }
0xcb: {  	v6 =	vld [tilespmem:s2+$0x1E10]  }
0xcc: {  	v7 =	vld [tilespmem:s2+$0x1190]  }
0xcd: {  	v11 =	vld [tilespmem:s2+$0x1B90]  }
0xce: {  	v9 =	vld [tilespmem:s2+$0x1410]  }
0xcf: {  	v13 =	vld [tilespmem:s2+$0x1910];
	v8 =	vand.u32 $0x8, v5;
	v4 =	vshll.u32 v4, $0x4  }
0xd0: {  	v6 =	vshll.u32 v6, $0x4;
	v10 =	vand.u32 $0x7, v5;
	v4 =	vor.u32 v8, v4  }
0xd1: {  	v14 =	vld [tilespmem:s2+$0xA00];
	v12 =	vand.u32 $0xF, v5;
	v6 =	vor.u32 v8, v6;
	v4 =	vor.u32 v10, v4  }
0xd2: {  	s0 =	simm.s32 $0x10;
	v15 =	vld [tilespmem:s2+$0x780];
	v11 =	vshll.u32 v11, $0x4;
	vm1 =	veq.s32 v12, $0x0;
	v6 =	vor.u32 v10, v6  }
0xd3: {  	v19 =	vld [tilespmem:s0+$0x1B90];
	v11 =	vor.u32 v8, v11;
	v12 =	vsel vm1, v9, v7  }
0xd4: {  	v22 =	vld [tilespmem:s0+$0xF10];
	v13 =	vshll.u32 v13, $0x4;
	v11 =	vor.u32 v10, v11;
	v12 =	vshll.u32 v12, $0x4  }
0xd5: {  	v12 =	vor.u32 v8, v12;
	v8 =	vor.u32 v8, v13;
	v13 =	vld [tilespmem:s0+$0x1E10]  }
0xd6: {  	v16 =	vld.idx.msk [tilespmem:v4+s24+$0x0], $0xffff  }
0xd7: {  	v17 =	vld.idx.msk [tilespmem:v6+s23+$0x0], $0xffff  }
0xd8: {  	v12 =	vor.u32 v10, v12;
	v8 =	vor.u32 v10, v8;
	v10 =	vadd.s32 $0x1, v5;
	v4 =	vld.idx.msk [tilespmem:v4+s23+$0x0], $0xffff  }
0xd9: {  	v9 =	vshll.u32 v9, $0x4;
	v10 =	vand.u32 $0xF, v10;
	v21 =	vld.idx.msk [tilespmem:v11+s23+$0x0], $0xffff  }
0xda: {  	v9 =	vor.u32 v10, v9;
	v10 =	vld [tilespmem:s0+$0x1690]  }
0xdb: {  	v5 =	vadd.s32 $0xFFFFFFFF, v5;
	v6 =	vld.idx.msk [tilespmem:v6+s24+$0x0], $0xffff  }
0xdc: {  	v7 =	vshll.u32 v7, $0x4;
	v5 =	vand.u32 $0xF, v5;
	v11 =	vld.idx.msk [tilespmem:v11+s24+$0x0], $0xffff  }
0xdd: {  	v5 =	vor.u32 v5, v7;
	v20 =	vld.idx.msk [tilespmem:v12+s23+$0x0], $0xffff  }
0xde: {  	v7 =	vld.idx.msk [tilespmem:v8+s23+$0x0], $0xffff  }
0xdf: {  	v12 =	vld.idx.msk [tilespmem:v12+s24+$0x0], $0xffff  }
0xe0: {  	v8 =	vld.idx.msk [tilespmem:v8+s24+$0x0], $0xffff  }
0xe1: {  	v23 =	vld.idx.msk [tilespmem:v9+s24+$0x0], $0xffff  }
0xe2: {  	v25 =	vld.idx.msk [tilespmem:v5+s24+$0x0], $0xffff  }
0xe3: {  	v28 =	vand.u32 $0x8, v22;
	v29 =	vld.idx.msk [tilespmem:v5+s23+$0x0], $0xffff;
	v5 =	vshll.u32 v13, $0x4  }
0xe4: {  	v18 =	vld [tilespmem:s0+$0x1910];
	v13 =	vand.u32 $0x7, v22;
	v27 =	vsub.f32 v20, v4;
	v4 =	vshll.u32 v10, $0x4  }
0xe5: {  	v9 =	vld.idx.msk [tilespmem:v9+s23+$0x0], $0xffff;
	v21 =	vsub.f32 v20, v21;
	v10 =	vshll.u32 v19, $0x4;
	v17 =	vsub.f32 v17, v20  }
0xe6: {  	v24 =	vld [tilespmem:s0+$0x1190];
	v19 =	vadd.s32 $0x1, v22;
	v57 =	vsub.f32 v7, v20;
	v16 =	vsub.f32 v12, v16  }
0xe7: {  	s30 =	simm.s32 $0x20;
	v26 =	vld [tilespmem:s0+$0x1410];
	v11 =	vsub.f32 v12, v11;
	v6 =	vsub.f32 v6, v12;
	v4 =	vor.u32 v28, v4  }
0xe8: {  	v35 =	vld [tilespmem:s30+$0x1910];
	v8 =	vsub.f32 v8, v12;
	v30 =	vor.u32 v13, v4;
	v23 =	vsub.f32 v23, v12  }
0xe9: {  	v36 =	vld [tilespmem:s30+$0x1B90];
	v4 =	vor.u32 v28, v5;
	v25 =	vsub.f32 v12, v25;
	v29 =	vsub.f32 v20, v29  }
0xea: {  	v5 =	vand.u32 $0xF, v22;
	v9 =	vsub.f32 v9, v20;
	v12 =	vsub.f32 v20, v12;
	v20 =	vld [tilespmem:s30+$0xF10]  }
0xeb: {  	v31 =	vor.u32 v13, v4;
	v4 =	vshll.u32 v18, $0x4;
	vm3 =	veq.s32 v5, $0x0;
	v18 =	vld [tilespmem:s2+$0xC80]  }
0xec: {  	v33 =	vor.u32 v28, v10;
	v32 =	vor.u32 v28, v4;
	v5 =	vsel vm3, v26, v24;
	v4 =	vld [tilespmem:s0+$0xA00]  }
0xed: {  	v19 =	vand.u32 $0xF, v19;
	v26 =	vshll.u32 v26, $0x4;
	v10 =	vshll.u32 v5, $0x4;
	v5 =	vld [tilespmem:s0+$0x780]  }
0xee: {  	vm2 =	vgt.f32 v15, $0.0e+00;
	v19 =	vor.u32 v19, v26;
	v26 =	vld [tilespmem:s30+$0x1E10]  }
0xef: {  	vm1 =	vgt.f32 v14, $0.0e+00;
	v22 =	vadd.s32 $0xFFFFFFFF, v22;
	v28 =	vor.u32 v28, v10;
	v10 =	vld.idx.msk [tilespmem:v30+s24+$0x0], $0xffff  }
0xf0: {  	v17 =	vsel vm1, v21, v17;
	v6 =	vsel vm1, v6, v11;
	v37 =	vor.u32 v13, v32;
	v30 =	vld.idx.msk [tilespmem:v30+s23+$0x0], $0xffff  }
0xf1: {  	v16 =	vsel vm2, v8, v16;
	v22 =	vand.u32 $0xF, v22;
	v21 =	vor.u32 v13, v28;
	v34 =	vld.idx.msk [tilespmem:v31+s23+$0x0], $0xffff  }
0xf2: {  	v17 =	vmul.f32 v17, v14;
	v24 =	vshll.u32 v24, $0x4;
	v28 =	vor.u32 v13, v33;
	v13 =	vld.idx.msk [tilespmem:v31+s24+$0x0], $0xffff  }
0xf3: {  	v14 =	vmul.f32 v6, v14;
	v22 =	vor.u32 v22, v24;
	vm3 =	vgt.f32 v18, $0.0e+00;
	v31 =	vld [tilespmem:s30+$0x1410]  }
0xf4: {  	v24 =	vshll.u32 v35, $0x4;
	vm4 =	vlt.f32 v18, $0.0e+00;
	v8 =	vsel vm3, v9, v29;
	v29 =	vld [tilespmem:s30+$0x1690]  }
0xf5: {  	v38 =	vadd.s32 $0x1, v20;
	v9 =	vsel vm2, v27, v57;
	v23 =	vsel vm4, v23, v25;
	v59 =	vld.idx.msk [tilespmem:v37+s23+$0x0], $0xffff  }
0xf6: {  	vm1 =	vgt.f32 v4, $0.0e+00;
	v6 =	vmul.f32 v9, v15;
	v25 =	vmul.f32 v8, v18;
	v7 =	vld.idx.msk [tilespmem:v21+s23+$0x0], $0xffff  }
0xf7: {  	v15 =	vmul.f32 v16, v15;
	v9 =	vmul.f32 v12, v12;
	v12 =	vld.idx.msk [tilespmem:v19+s24+$0x0], $0xffff;
	vm2 =	vgt.f32 v5, $0.0e+00  }
0xf8: {  	v26 =	vshll.u32 v26, $0x4;
	v60 =	vld.idx.msk [tilespmem:v22+s24+$0x0], $0xffff;
	v61 =	vmul.f32 v23, v18;
	v17 =	vadd.f32 v17, v6  }
0xf9: {  	v58 =	vld.idx.msk [tilespmem:v28+s23+$0x0], $0xffff;
	v6 =	vmov s13;
	v14 =	vadd.f32 v14, v15;
	v15 =	vand.u32 $0x8, v20  }
0xfa: {  	v8 =	vld.idx.msk [tilespmem:v21+s24+$0x0], $0xffff;
	v23 =	vor.u32 v15, v24;
	v63 =	vshll.u32 v31, $0x4;
	v21 =	vshll.u32 v29, $0x4  }
0xfb: {  	v29 =	vand.u32 $0xF, v20;
	v11 =	vsub.f32 v7, v30;
	v30 =	vadd.f32 v25, v17;
	v25 =	vld [tilespmem:s30+$0x1190]  }
0xfc: {  	v28 =	vld.idx.msk [tilespmem:v28+s24+$0x0], $0xffff;
	v14 =	vadd.f32 v61, v14;
	v27 =	vor.u32 v15, v21;
	v21 =	vand.u32 $0x7, v20  }
0xfd: {  	v24 =	vld.idx.msk [tilespmem:v22+s23+$0x0], $0xffff;
	v20 =	vadd.s32 $0xFFFFFFFF, v20;
	vm3 =	veq.s32 v29, $0x0;
	v27 =	vor.u32 v21, v27  }
0xfe: {  	v22 =	vld.idx.msk [tilespmem:v19+s23+$0x0], $0xffff;
	v16 =	vsub.f32 v7, v58;
	v17 =	vshll.u32 v36, $0x4;
	v19 =	vsub.f32 v34, v7  }
0xff: {  	v18 =	vsub.f32 v12, v8;
	v12 =	vld [tilespmem:s0+$0xC80];
	v32 =	vor.u32 v15, v17;
	v17 =	vor.u32 v15, v26  }
0x100: {  	v33 =	vand.u32 $0xF, v20;
	v26 =	vld.idx.msk [tilespmem:v37+s24+$0x0], $0xffff;
	v17 =	vor.u32 v21, v17;
	v62 =	vsel vm3, v31, v25  }
0x101: {  	v29 =	vsel vm1, v16, v19;
	v16 =	vld [tilespmem:s30+$0xA00];
	v19 =	vsub.f32 v30, v14;
	v31 =	vshll.u32 v62, $0x4  }
0x102: {  	s31 =	sadd.s32 $0x10, s13;
	v14 =	vld [tilespmem:s30+$0x780];
	v30 =	vsub.f32 v8, v60;
	v34 =	vor.u32 v15, v31;
	v15 =	vand.u32 $0xF, v38  }
0x103: {  	s16 =	simm.s32 $0xC0;
	s0 =	smov.u32 s31;
	v20 =	vld.idx.msk [tilespmem:v27+s24+$0x0], $0xffff;
	v25 =	vshll.u32 v25, $0x4;
	v31 =	vsub.f32 v59, v7;
	v15 =	vor.u32 v15, v63  }
.LBB2_16:
0x104: {  	s2 =	smov.u32 s16  }
0x105: {  	s15 =	sshra.s32 s16, $0x2;
	v34 =	vor.u32 v21, v34;
	v35 =	vor.u32 v21, v32;
	v36 =	vld.idx.msk [tilespmem:v17+s23+$0x0], $0xffff;
	v10 =	vsub.f32 v8, v10;
	s31 =	sadd.s32 $0x10, s31;
	s2 =	sadd.s32 $0x40, s16  }
0x106: {  	p1 =	sne.s32 s16, $0x9C0;
	v28 =	vsub.f32 v8, v28;
	v24 =	vsub.f32 v7, v24;
	vm3 =	vgt.f32 v12, $0.0e+00;
	v27 =	vld.idx.msk [tilespmem:v27+s23+$0x0], $0xffff  }
0x107: {  	v13 =	vsub.f32 v13, v8;
	v19 =	vmul.f32 $2.000000000e+01, v19;
	vm4 =	vlt.f32 v12, $0.0e+00;
	v32 =	vld [tilespmem:s15+$0x1910]  }
0x108: {  	v26 =	vsub.f32 v26, v8;
	v22 =	vsub.f32 v22, v7;
	v29 =	vmul.f32 v29, v4;
	v37 =	vld [tilespmem:s15+$0x1E10]  }
0x109: {  	v39 =	vor.u32 v21, v23;
	v13 =	vsel vm1, v13, v28;
	v19 =	vmul.f32 v19, v19;
	v38 =	vld [tilespmem:s15+$0x1B90]  }
0x10a: {  	v23 =	vsel vm2, v26, v10;
	v10 =	vsel vm3, v22, v24;
	v22 =	vmul.f32 v13, v4;
	v21 =	vld.idx.msk [tilespmem:v34+s23+$0x0], $0xffff  }
0x10b: {  	v7 =	vsub.f32 v7, v8;
	v18 =	vsel vm4, v18, v30;
	v8 =	vadd.f32 v19, v9;
	v24 =	vld.idx.msk [tilespmem:v35+s23+$0x0], $0xffff  }
0x10c: {  	vm1 =	vlt.u32 v6, v2;
	v26 =	vmul.f32 v10, v12;
	v4 =	vmovc v16;
	v9 =	vsel vm2, v11, v31;
	v19 =	vld [tilespmem:s15+$0x1690]  }
0x10d: {  	v6 =	vmul.f32 v9, v5;
	v10 =	vmov v20;
	v8 =	vnsel vm1, $0x0, v8;
	v16 =	vld [tilespmem:s15+$0xF10]  }
0x10e: {  	v20 =	vor.u32 v33, v25;
	v3 =	vadd.f32 v8, v3;
	v30 =	vld.idx.msk [tilespmem:v39+s23+$0x0], $0xffff  }
0x10f: {  	vm1 =	vgt.f32 v4, $0.0e+00;
	v13 =	vld.idx.msk [tilespmem:v17+s24+$0x0], $0xffff;
	v17 =	vadd.f32 v29, v6;
	v6 =	vmov s0;
	s0 =	smov.u32 s31  }
0x110: {  	v23 =	vmul.f32 v23, v5;
	v9 =	vmul.f32 v7, v7;
	v11 =	vsub.f32 v21, v27;
	v8 =	vld.idx.msk [tilespmem:v34+s24+$0x0], $0xffff  }
0x111: {  	vm2 =	vgt.f32 v14, $0.0e+00;
	v7 =	vmovc v21;
	v29 =	vsub.f32 v21, v24;
	v25 =	vld.idx.msk [tilespmem:v15+s24+$0x0], $0xffff;
	v31 =	vadd.f32 v26, v17  }
0x112: {  	v5 =	vmovc v14;
	v34 =	vadd.f32 v22, v23;
	v17 =	vshll.u32 v38, $0x4;
	v26 =	vshll.u32 v37, $0x4;
	v33 =	vld [tilespmem:s15+$0x1190]  }
0x113: {  	v22 =	vshll.u32 v32, $0x4;
	v19 =	vshll.u32 v19, $0x4;
	v14 =	vand.u32 $0x8, v16;
	v37 =	vld.idx.msk [tilespmem:v20+s24+$0x0], $0xffff  }
0x114: {  	v12 =	vmul.f32 v18, v12;
	v38 =	vand.u32 $0xF, v16;
	v19 =	vor.u32 v14, v19;
	v40 =	vld [tilespmem:s15+$0x1410]  }
0x115: {  	v41 =	vadd.s32 $0x1, v16;
	v21 =	vand.u32 $0x7, v16;
	v23 =	vor.u32 v14, v22;
	v24 =	vld.idx.msk [tilespmem:v20+s23+$0x0], $0xffff  }
0x116: {  	v32 =	vor.u32 v14, v17;
	v17 =	vor.u32 v14, v26;
	v27 =	vor.u32 v21, v19;
	v22 =	vld.idx.msk [tilespmem:v15+s23+$0x0], $0xffff  }
0x117: {  	v17 =	vor.u32 v21, v17;
	v15 =	vsub.f32 v36, v7;
	v18 =	vsub.f32 v25, v8;
	v28 =	vld.idx.msk [tilespmem:v35+s24+$0x0], $0xffff  }
.Ltmp10:
0x118: {  	vm3 =	veq.s32 v38, $0x0;
	v19 =	vadd.f32 v12, v34;
	v20 =	vadd.s32 $0xFFFFFFFF, v16;
	v26 =	vld.idx.msk [tilespmem:v39+s24+$0x0], $0xffff;
	(pc) =	sbr.rel @p1 .LBB2_16-.Ltmp10, $4  }
0x119: {  	v29 =	vsel vm1, v29, v15;
	v16 =	vsel vm3, v40, v33;
	v35 =	vshll.u32 v40, $0x4;
	v12 =	vld [tilespmem:s30+$0xC80];
	s30 =	smov.u32 s15  }
0x11a: {  	v19 =	vsub.f32 v31, v19;
	v25 =	vshll.u32 v33, $0x4;
	v15 =	vshll.u32 v16, $0x4;
	v16 =	vld [tilespmem:s30+$0xA00]  }
0x11b: {  	v31 =	vsub.f32 v30, v7;
	v34 =	vor.u32 v14, v15;
	v15 =	vand.u32 $0xF, v41;
	v14 =	vld [tilespmem:s30+$0x780]  }
0x11c: {  	s16 =	smov.u32 s2;
	v30 =	vsub.f32 v8, v37;
	v33 =	vand.u32 $0xF, v20;
	v15 =	vor.u32 v15, v35;
	v20 =	vld.idx.msk [tilespmem:v27+s24+$0x0], $0xffff  }
0x11d: {  	_ =	sdelay $0x3  }
0x11e: {  	v34 =	vor.u32 v21, v34;
	v61 =	vld.idx.msk [tilespmem:v17+s23+$0x0], $0xffff  }
0x11f: {  	v32 =	vor.u32 v21, v32;
	v27 =	vld.idx.msk [tilespmem:v27+s23+$0x0], $0xffff  }
0x120: {  	v60 =	vor.u32 v21, v23;
	v63 =	vld.idx.msk [tilespmem:v17+s24+$0x0], $0xffff  }
0x121: {  	v37 =	vld.idx.msk [tilespmem:v15+s24+$0x0], $0xffff  }
0x122: {  	v25 =	vor.u32 v33, v25;
	v10 =	vsub.f32 v8, v10;
	v43 =	vld [tilespmem:s30+$0xC80]  }
0x123: {  	v28 =	vsub.f32 v8, v28;
	v24 =	vsub.f32 v7, v24;
	v35 =	vld.idx.msk [tilespmem:v34+s23+$0x0], $0xffff  }
0x124: {  	v13 =	vsub.f32 v13, v8;
	v26 =	vsub.f32 v26, v8;
	v36 =	vld.idx.msk [tilespmem:v32+s23+$0x0], $0xffff  }
0x125: {  	v22 =	vsub.f32 v22, v7;
	v11 =	vsel vm2, v11, v31;
	v29 =	vmul.f32 v29, v4;
	v62 =	vld.idx.msk [tilespmem:v60+s23+$0x0], $0xffff  }
0x126: {  	vm3 =	vgt.f32 v12, $0.0e+00;
	v11 =	vmul.f32 v11, v5;
	v13 =	vsel vm1, v13, v28;
	v34 =	vld.idx.msk [tilespmem:v34+s24+$0x0], $0xffff  }
0x127: {  	v10 =	vsel vm2, v26, v10;
	v22 =	vsel vm3, v22, v24;
	v4 =	vmul.f32 v13, v4;
	v38 =	vld.idx.msk [tilespmem:v25+s24+$0x0], $0xffff  }
0x128: {  	v40 =	vmul.f32 v22, v12;
	v11 =	vadd.f32 v29, v11;
	v5 =	vmul.f32 v10, v5;
	v39 =	vld.idx.msk [tilespmem:v25+s23+$0x0], $0xffff  }
0x129: {  	v41 =	vld.idx.msk [tilespmem:v32+s24+$0x0], $0xffff  }
0x12a: {  	vm1 =	vlt.f32 v12, $0.0e+00;
	v11 =	vadd.f32 v40, v11;
	v45 =	vld.idx.msk [tilespmem:v60+s24+$0x0], $0xffff;
	v4 =	vadd.f32 v4, v5  }
0x12b: {  	v18 =	vsel vm1, v18, v30;
	v5 =	vld.idx.msk [tilespmem:v15+s23+$0x0], $0xffff;
	v42 =	vsub.f32 v35, v27;
	v44 =	vsub.f32 v35, v36  }
0x12c: {  	vm1 =	vgt.f32 v16, $0.0e+00;
	v46 =	vsub.f32 v61, v35;
	v48 =	vsub.f32 v37, v34  }
0x12d: {  	vm2 =	vgt.f32 v14, $0.0e+00;
	v49 =	vsub.f32 v62, v35;
	v50 =	vsub.f32 v34, v38  }
0x12e: {  	v47 =	vmul.f32 v18, v12;
	v20 =	vsub.f32 v34, v20;
	v22 =	vsub.f32 v34, v41  }
0x12f: {  	vm3 =	vgt.f32 v43, $0.0e+00;
	v17 =	vsub.f32 v63, v34;
	v13 =	vsub.f32 v45, v34  }
0x130: {  	vm4 =	vlt.f32 v43, $0.0e+00;
	v24 =	vsub.f32 v35, v39;
	v5 =	vsub.f32 v5, v35  }
0x131: {  	v15 =	vsel vm1, v44, v46;
	v17 =	vsel vm1, v17, v22;
	v13 =	vsel vm2, v13, v20  }
0x132: {  	v52 =	vsel vm2, v42, v49;
	v15 =	vmul.f32 v15, v16;
	v51 =	vmul.f32 v17, v16  }
0x133: {  	v5 =	vsel vm3, v5, v24;
	v17 =	vmul.f32 v52, v14;
	v13 =	vmul.f32 v13, v14  }
0x134: {  	v4 =	vadd.f32 v47, v4;
	v53 =	vsel vm4, v48, v50;
	v5 =	vmul.f32 v5, v43  }
0x135: {  	v10 =	vmul.f32 v53, v43;
	v54 =	vadd.f32 v15, v17;
	v13 =	vadd.f32 v51, v13  }
0x136: {  	v4 =	vsub.f32 v11, v4  }
0x137: {  	v55 =	vmul.f32 $2.000000000e+01, v19;
	v5 =	vadd.f32 v5, v54;
	v10 =	vadd.f32 v10, v13  }
0x138: {  	v57 =	vsub.f32 v7, v8  }
0x139: {  	v56 =	vmul.f32 v55, v55;
	v4 =	vmul.f32 $2.000000000e+01, v4;
	v5 =	vsub.f32 v5, v10  }
0x13a: {  	v59 =	vmul.f32 v57, v57;
	v60 =	vsub.f32 v35, v34  }
0x13b: {  	v58 =	vadd.f32 v56, v9;
	v4 =	vmul.f32 v4, v4;
	v5 =	vmul.f32 $2.000000000e+01, v5  }
0x13c: {  	s29 =	sadd.s32 $0x1, s29;
	v61 =	vmov s0;
	vm1 =	vlt.u32 v6, v2;
	v62 =	vmul.f32 v60, v60  }
0x13d: {  	p1 =	sne.s32 s29, $0x4;
	v8 =	vnsel vm1, $0x0, v58;
	v4 =	vadd.f32 v4, v59;
	v5 =	vmul.f32 v5, v5  }
.Ltmp11:
0x13e: {  	s31 =	sadd.s32 $0x10, s31;
	vm1 =	vlt.u32 v61, v2;
	v3 =	vadd.f32 v8, v3;
	(pc) =	sbr.rel @p1 .LBB2_6-.Ltmp11, $4  }
.Ltmp12:
0x13f: {  	v63 =	vmov s31;
	v4 =	vnsel vm1, $0x0, v4;
	v5 =	vadd.f32 v5, v62;
	(pc) =	sbr.rel @!p1 .LBB2_18-.Ltmp12, $4  }
0x140: {  	vm1 =	vlt.u32 v63, v2;
	v3 =	vadd.f32 v4, v3  }
0x141: {  	v4 =	vnsel vm1, $0x0, v5  }
0x142: {  	v3 =	vadd.f32 v4, v3  }
0x143: {  	_ = 	snop  }
.LBB2_8:
.Ltmp13:
0x144: {  	(pc) =	sbr.rel .LBB2_12-.Ltmp13, $2  }
0x145: {  	_ =	sdelay $0x2  }
0x146: {  	s31 =	simm.s32 $0x38A0;
	s17 =	simm.s32 $0x2CA0;
	s16 =	simm.s32 $0xF8A0  }
.LBB2_10:
.Ltmp14:
0x147: {  	(pc) =	sbr.rel .LBB2_12-.Ltmp14, $2  }
0x148: {  	_ =	sdelay $0x2  }
0x149: {  	s31 =	simm.s32 $0x38A0;
	s17 =	simm.s32 $0x2CA0;
	s16 =	simm.s32 $0xF8A0  }
.LBB2_19:
0x14a: {  	_ =	sfence.sel $0x180000  }
0x14b: {  	[bflag:$0x0] =	sbarrier.arrive $0xFFFF  }
0x14c: {  	_ =	strace $0x90000047  }
0x14d: {  	s0 =	stileid.u32;
	[bflag:$0x2] =	sbarrier.arrive $0xFFFF  }
0x14e: {  	p0 =	sne.s32 s0, $0x0;
	s0 =	rddreg [dreg:$0x3]  }
0x14f: {  	s0 =	sadd.s32 @!p0 $0x100000, s0  }
0x150: {  	[sflag:s0] =	ssyncadd.tile.s32 @!p0 $0x1;
	_ =	shalt  }
.Lfunc_end2:
_tile_overlayer_lowered:
.L_overlay_start_2:
0x151: {  	(tag) =	ssettag $0x2  }
0x152: {  	s0 =	rddreg [dreg:$0x0];
	s2 =	stileid.u32  }
0x153: {  	s1 =	rddreg [dreg:$0x1];
	p0 =	sne.s32 s2, $0x0  }
0x154: {  	s3 =	rddreg [dreg:$0x2];
	[bflag:$0x3] =	sbarrier.arrive $0xFFFF;
	s2 =	simm.s32 @!p0 $0x1C03  }
0x155: {  	[timem:s3], [sflag:s2] =	dma.local @!p0 [hbm:s0], s1  }
0x156: {  	s0 =	simm.s32 @!p0 $0x3  }
0x157: {  	_ =	swait.ge @!p0 [sflag:s0], s1  }
0x158: {  	s1 =	ssub.s32 @!p0 $0x0, s1;
	[sflag:s0] =	ssyncset.done @!p0 $0x0  }
0x159: {  	[sflag:s0] =	ssyncadd.s32 @!p0 s1  }
0x15a: {  	[bflag:$0x3] =	sbarrier.arrive $0xFFFF  }
0x15b: {  	_ =	shalt  }

</sc_bundles>
